<compile_context>
chip_gen: v7x
topology: tpu7x:2x2x1
jax: 0.10.2.dev20260603
libtpu: 0.0.44.dev20260713+nightly
codegen_flags: <defaults>
</compile_context>

<pallas_src>
import functools

import jax
import jax.numpy as jnp
from jax import lax
from jax.experimental import pallas as pl
from jax.experimental.pallas import tpu as pltpu
from jax.experimental.pallas import tpu_sc as plsc

NUM_CORES = 2
NUM_SUBCORES = 16
NUM_WORKERS = NUM_CORES * NUM_SUBCORES
LANES = 16

CHUNK_ROWS = 8
NBUF = 4
NPE = 2
LOOKAHEAD = 3
ADD_UNROLL = 8

SC_ROWS = 256
TC_BS = 256


def _sc_stage(x_rows, pe, *, batch, seq, d):
    rows_per_w = SC_ROWS // NUM_WORKERS
    n_chunks = rows_per_w // CHUNK_ROWS
    n_steps = n_chunks * batch

    mesh = plsc.VectorSubcoreMesh(core_axis_name="c", subcore_axis_name="s")

    scratch = (
        [pltpu.VMEM((CHUNK_ROWS, d), jnp.float32) for _ in range(NBUF + NPE)]
        + [pltpu.SemaphoreType.DMA for _ in range(2 * NBUF + NPE)]
    )

    @functools.partial(
        pl.kernel,
        out_type=jax.ShapeDtypeStruct((batch * seq, d), jnp.float32),
        mesh=mesh,
        scratch_types=scratch,
    )
    def body(x_hbm, pe_hbm, out_hbm, *refs):
        x_bufs = refs[:NBUF]
        pe_bufs = refs[NBUF:NBUF + NPE]
        sems = refs[NBUF + NPE:]
        x_sems = sems[:NBUF]
        o_sems = sems[NBUF:2 * NBUF]
        pe_sems = sems[2 * NBUF:]

        cid = lax.axis_index("c")
        sid = lax.axis_index("s")
        wid = sid * NUM_CORES + cid
        base_row = wid * rows_per_w

        pe_descs = [None] * n_chunks
        x_descs = [None] * n_steps
        o_descs = [None] * n_steps

        def issue_loads(s):
            c, b = divmod(s, batch)
            row = base_row + c * CHUNK_ROWS
            if b == 0:
                pe_descs[c] = pltpu.async_copy(
                    pe_hbm.at[pl.ds(row, CHUNK_ROWS), :], pe_bufs[c % NPE],
                    pe_sems[c % NPE])
            if s >= NBUF:
                o_descs[s - NBUF].wait()
            x_descs[s] = pltpu.async_copy(
                x_hbm.at[pl.ds(b * seq + row, CHUNK_ROWS), :],
                x_bufs[s % NBUF], x_sems[s % NBUF])

        def process(s):
            c, b = divmod(s, batch)
            row = base_row + c * CHUNK_ROWS
            if b == 0:
                pe_descs[c].wait()
            x_descs[s].wait()
            x_buf = x_bufs[s % NBUF]
            pe_buf = pe_bufs[c % NPE]

            def row_body(r, _):
                @plsc.parallel_loop(0, d, step=LANES * ADD_UNROLL)
                def add_iter(i):
                    for j in range(ADD_UNROLL):
                        sl = pl.ds(i + j * LANES, LANES)
                        x_buf[r, sl] = x_buf[r, sl] + pe_buf[r, sl]
                return 0

            lax.fori_loop(0, CHUNK_ROWS, row_body, 0)

            o_descs[s] = pltpu.async_copy(
                x_buf, out_hbm.at[pl.ds(b * seq + row, CHUNK_ROWS), :],
                o_sems[s % NBUF])

        for s in range(LOOKAHEAD):
            issue_loads(s)
        for s in range(n_steps):
            if s + LOOKAHEAD < n_steps:
                issue_loads(s + LOOKAHEAD)
            process(s)
        for s in range(n_steps - NBUF, n_steps):
            o_descs[s].wait()

    return body(x_rows, pe)


def _tc_stage(x, pe, sc_out, *, batch, seq, d):
    n_blocks = (seq - SC_ROWS) // TC_BS
    blk0 = SC_ROWS // TC_BS

    def body(x_ref, pe_ref, alias_ref, o_ref):
        del alias_ref
        o_ref[...] = x_ref[...] + pe_ref[...]

    return pl.pallas_call(
        body,
        grid=(n_blocks, batch),
        in_specs=[
            pl.BlockSpec((1, TC_BS, d), lambda i, b: (b, i + blk0, 0)),
            pl.BlockSpec((TC_BS, d), lambda i, b: (i + blk0, 0)),
            pl.BlockSpec(memory_space=pl.ANY),
        ],
        out_specs=pl.BlockSpec((1, TC_BS, d), lambda i, b: (b, i + blk0, 0)),
        out_shape=jax.ShapeDtypeStruct((batch, seq, d), jnp.float32),
        input_output_aliases={2: 0},
        compiler_params=pltpu.CompilerParams(
            dimension_semantics=("arbitrary", "arbitrary"),
        ),
    )(x, pe, sc_out)


@functools.partial(jax.jit, static_argnames=("batch", "seq", "d"))
def _hybrid_broadcast_add(x, pe, *, batch, seq, d):
    sc_out = _sc_stage(x.reshape(batch * seq, d), pe,
                       batch=batch, seq=seq, d=d)
    return _tc_stage(x, pe, sc_out.reshape(batch, seq, d),
                     batch=batch, seq=seq, d=d)


def kernel(x, pos_embedding):
    batch, seq, d = x.shape
    pe = pos_embedding[:seq]
    return _hybrid_broadcast_add(x, pe, batch=batch, seq=seq, d=d)

# --- scband reference (transcript-rebuilt; emitter-appended) ---
"""Pipeline reference for scband-absolute-position-encoding-28467043238487 (READ-ONLY COPY).

The authoritative reference and input builder live on the scoring server;
editing this copy changes nothing except your own understanding.
"""

import jax, jax.numpy as jnp
import numpy as np

D_MODEL = 2048
MAX_LEN = 2048
BATCH = 4
SEQ_LEN = 2048
INIT_SCALE = 1.0

def setup_inputs(seed: int = 0) -> dict:
    key = jax.random.key(seed)
    k_x, k_w = jax.random.split(key)
    x = jax.random.normal(k_x, (BATCH, SEQ_LEN, D_MODEL), dtype=jnp.float32)
    # xavier_uniform init for embedding weight [max_len, d_model], then scaled by init_scale
    bound = float(np.sqrt(6.0 / (MAX_LEN + D_MODEL)))
    pos_embedding = jax.random.uniform(k_w, (MAX_LEN, D_MODEL), dtype=jnp.float32, minval=-bound, maxval=bound) * INIT_SCALE
    return {"x": x, "pos_embedding": pos_embedding}

def reference(x, pos_embedding):
    # learnable=True branch: gather position embeddings for positions [0, seq_len)
    seq_len = x.shape[1]
    positions = jnp.arange(seq_len)  # [S]
    pe = jnp.take(pos_embedding, positions, axis=0)  # [S, D]
    out = x + pe[None, :, :]  # broadcast over batch
    # dropout p=0.0 -> identity
    return out

if __name__ == "__main__":
    import jax
    _d = setup_inputs()
    print(jax.jit(kernel)(*tuple(_d.values())))

</pallas_src>

<mosaic_0001>
#map = affine_map<(d0, d1) -> (0, 0)>
module attributes {stable_mosaic.version = 14 : i64} {
  func.func @body(%arg0: i32, %arg1: i32, %arg2: memref<8192x2048xf32, #tpu.memory_space<hbm>>, %arg3: memref<2048x2048xf32, #tpu.memory_space<hbm>>, %arg4: memref<8192x2048xf32, #tpu.memory_space<hbm>>, %arg5: memref<8x2048xf32, #tpu.memory_space<vmem>>, %arg6: memref<8x2048xf32, #tpu.memory_space<vmem>>, %arg7: memref<8x2048xf32, #tpu.memory_space<vmem>>, %arg8: memref<8x2048xf32, #tpu.memory_space<vmem>>, %arg9: memref<8x2048xf32, #tpu.memory_space<vmem>>, %arg10: memref<8x2048xf32, #tpu.memory_space<vmem>>, %arg11: memref<!tpu.dma_semaphore, #tpu.memory_space<semaphore_mem>>, %arg12: memref<!tpu.dma_semaphore, #tpu.memory_space<semaphore_mem>>, %arg13: memref<!tpu.dma_semaphore, #tpu.memory_space<semaphore_mem>>, %arg14: memref<!tpu.dma_semaphore, #tpu.memory_space<semaphore_mem>>, %arg15: memref<!tpu.dma_semaphore, #tpu.memory_space<semaphore_mem>>, %arg16: memref<!tpu.dma_semaphore, #tpu.memory_space<semaphore_mem>>, %arg17: memref<!tpu.dma_semaphore, #tpu.memory_space<semaphore_mem>>, %arg18: memref<!tpu.dma_semaphore, #tpu.memory_space<semaphore_mem>>, %arg19: memref<!tpu.dma_semaphore, #tpu.memory_space<semaphore_mem>>, %arg20: memref<!tpu.dma_semaphore, #tpu.memory_space<semaphore_mem>>) attributes {dimension_semantics = [#tpu.dimension_semantics<core_parallel>, #tpu.dimension_semantics<subcore_parallel>], iteration_bounds = array<i64: 2, 16>, scalar_prefetch = 0 : i64, scratch_operands = 16 : i64, tpu.core_type = #tpu.core_type<sc_vector_subcore>, window_params = [{transform_indices = #map}, {transform_indices = #map}, {transform_indices = #map}]} {
    %mul3A = arith.constant 2 : i32
    %mul3A_0 = arith.muli %arg1, %mul3A : i32
    %add3A = arith.addi %mul3A_0, %arg0 : i32
    %mul3A_1 = arith.constant 8 : i32
    %mul3A_2 = arith.muli %add3A, %mul3A_1 : i32
    %add3A_3 = arith.constant 0 : i32
    %add3A_4 = arith.addi %mul3A_2, %add3A_3 : i32
    %dma_start3A = arith.constant 0 : i32
    %dma_start3A_5 = tpu.memref_slice %arg3[%add3A_4, %dma_start3A] : memref<2048x2048xf32, #tpu.memory_space<hbm>> -> memref<8x2048xf32, #tpu.memory_space<hbm>>
    %dma_start3A_6 = arith.constant 0 : i32
    %dma_start3A_7 = tpu.memref_slice %arg3[%add3A_4, %dma_start3A_6] : memref<2048x2048xf32, #tpu.memory_space<hbm>> -> memref<8x2048xf32, #tpu.memory_space<hbm>>
    tpu.enqueue_dma source(%dma_start3A_7 : memref<8x2048xf32, #tpu.memory_space<hbm>>) target(%arg9 : memref<8x2048xf32, #tpu.memory_space<vmem>>) target_semaphore(%arg19 : memref<!tpu.dma_semaphore, #tpu.memory_space<semaphore_mem>>)
    %add3A_8 = arith.constant 0 : i32
    %add3A_9 = arith.addi %add3A_8, %add3A_4 : i32
    %dma_start3A_10 = arith.constant 0 : i32
    %dma_start3A_11 = tpu.memref_slice %arg2[%add3A_9, %dma_start3A_10] : memref<8192x2048xf32, #tpu.memory_space<hbm>> -> memref<8x2048xf32, #tpu.memory_space<hbm>>
    %dma_start3A_12 = arith.constant 0 : i32
    %dma_start3A_13 = tpu.memref_slice %arg2[%add3A_9, %dma_start3A_12] : memref<8192x2048xf32, #tpu.memory_space<hbm>> -> memref<8x2048xf32, #tpu.memory_space<hbm>>
    tpu.enqueue_dma source(%dma_start3A_13 : memref<8x2048xf32, #tpu.memory_space<hbm>>) target(%arg5 : memref<8x2048xf32, #tpu.memory_space<vmem>>) target_semaphore(%arg11 : memref<!tpu.dma_semaphore, #tpu.memory_space<semaphore_mem>>)
    %add3A_14 = arith.constant 0 : i32
    %add3A_15 = arith.addi %mul3A_2, %add3A_14 : i32
    %add3A_16 = arith.constant 2048 : i32
    %add3A_17 = arith.addi %add3A_16, %add3A_15 : i32
    %dma_start3A_18 = arith.constant 0 : i32
    %dma_start3A_19 = tpu.memref_slice %arg2[%add3A_17, %dma_start3A_18] : memref<8192x2048xf32, #tpu.memory_space<hbm>> -> memref<8x2048xf32, #tpu.memory_space<hbm>>
    %dma_start3A_20 = arith.constant 0 : i32
    %dma_start3A_21 = tpu.memref_slice %arg2[%add3A_17, %dma_start3A_20] : memref<8192x2048xf32, #tpu.memory_space<hbm>> -> memref<8x2048xf32, #tpu.memory_space<hbm>>
    tpu.enqueue_dma source(%dma_start3A_21 : memref<8x2048xf32, #tpu.memory_space<hbm>>) target(%arg6 : memref<8x2048xf32, #tpu.memory_space<vmem>>) target_semaphore(%arg12 : memref<!tpu.dma_semaphore, #tpu.memory_space<semaphore_mem>>)
    %add3A_22 = arith.constant 0 : i32
    %add3A_23 = arith.addi %mul3A_2, %add3A_22 : i32
    %add3A_24 = arith.constant 4096 : i32
    %add3A_25 = arith.addi %add3A_24, %add3A_23 : i32
    %dma_start3A_26 = arith.constant 0 : i32
    %dma_start3A_27 = tpu.memref_slice %arg2[%add3A_25, %dma_start3A_26] : memref<8192x2048xf32, #tpu.memory_space<hbm>> -> memref<8x2048xf32, #tpu.memory_space<hbm>>
    %dma_start3A_28 = arith.constant 0 : i32
    %dma_start3A_29 = tpu.memref_slice %arg2[%add3A_25, %dma_start3A_28] : memref<8192x2048xf32, #tpu.memory_space<hbm>> -> memref<8x2048xf32, #tpu.memory_space<hbm>>
    tpu.enqueue_dma source(%dma_start3A_29 : memref<8x2048xf32, #tpu.memory_space<hbm>>) target(%arg7 : memref<8x2048xf32, #tpu.memory_space<vmem>>) target_semaphore(%arg13 : memref<!tpu.dma_semaphore, #tpu.memory_space<semaphore_mem>>)
    %add3A_30 = arith.constant 0 : i32
    %add3A_31 = arith.addi %mul3A_2, %add3A_30 : i32
    %add3A_32 = arith.constant 6144 : i32
    %add3A_33 = arith.addi %add3A_32, %add3A_31 : i32
    %dma_start3A_34 = arith.constant 0 : i32
    %dma_start3A_35 = tpu.memref_slice %arg2[%add3A_33, %dma_start3A_34] : memref<8192x2048xf32, #tpu.memory_space<hbm>> -> memref<8x2048xf32, #tpu.memory_space<hbm>>
    %dma_start3A_36 = arith.constant 0 : i32
    %dma_start3A_37 = tpu.memref_slice %arg2[%add3A_33, %dma_start3A_36] : memref<8192x2048xf32, #tpu.memory_space<hbm>> -> memref<8x2048xf32, #tpu.memory_space<hbm>>
    tpu.enqueue_dma source(%dma_start3A_37 : memref<8x2048xf32, #tpu.memory_space<hbm>>) target(%arg8 : memref<8x2048xf32, #tpu.memory_space<vmem>>) target_semaphore(%arg14 : memref<!tpu.dma_semaphore, #tpu.memory_space<semaphore_mem>>)
    %add3A_38 = arith.constant 0 : i32
    %add3A_39 = arith.addi %mul3A_2, %add3A_38 : i32
    %dma_wait3A = arith.constant 0 : i32
    %dma_wait3A_40 = tpu.memref_slice %arg3[%add3A_4, %dma_wait3A] : memref<2048x2048xf32, #tpu.memory_space<hbm>> -> memref<8x2048xf32, #tpu.memory_space<hbm>>
    %dma_wait3A_41 = arith.constant 0 : i32
    %dma_wait3A_42 = tpu.memref_slice %arg3[%add3A_4, %dma_wait3A_41] : memref<2048x2048xf32, #tpu.memory_space<hbm>> -> memref<8x2048xf32, #tpu.memory_space<hbm>>
    tpu.wait_dma2 semaphore(%arg19 : memref<!tpu.dma_semaphore, #tpu.memory_space<semaphore_mem>>) src(%dma_wait3A_42 : memref<8x2048xf32, #tpu.memory_space<hbm>>) dst(%arg9 : memref<8x2048xf32, #tpu.memory_space<vmem>>)
    %dma_wait3A_43 = arith.constant 0 : i32
    %dma_wait3A_44 = tpu.memref_slice %arg2[%add3A_9, %dma_wait3A_43] : memref<8192x2048xf32, #tpu.memory_space<hbm>> -> memref<8x2048xf32, #tpu.memory_space<hbm>>
    %dma_wait3A_45 = arith.constant 0 : i32
    %dma_wait3A_46 = tpu.memref_slice %arg2[%add3A_9, %dma_wait3A_45] : memref<8192x2048xf32, #tpu.memory_space<hbm>> -> memref<8x2048xf32, #tpu.memory_space<hbm>>
    tpu.wait_dma2 semaphore(%arg11 : memref<!tpu.dma_semaphore, #tpu.memory_space<semaphore_mem>>) src(%dma_wait3A_46 : memref<8x2048xf32, #tpu.memory_space<hbm>>) dst(%arg5 : memref<8x2048xf32, #tpu.memory_space<vmem>>)
    %scan3A = arith.constant 0 : i32
    %scan3A_47 = arith.constant 0 : i32
    %scan3A_48 = arith.constant 8 : i32
    %scan3A_49 = arith.addi %scan3A_47, %scan3A_48 : i32
    %scan3A_50 = arith.constant 1 : i32
    %scan3A_51 = scf.for %scan3A_132 = %scan3A_47 to %scan3A_49 step %scan3A_50 iter_args(%scan3A_133 = %scan3A) -> (i32)  : i32 {
      %parallel_loop3A = arith.constant 0 : i32
      %parallel_loop3A_134 = arith.constant 2048 : i32
      %parallel_loop3A_135 = arith.constant 128 : i32
      scf.for %parallel_loop3A_137 = %parallel_loop3A to %parallel_loop3A_134 step %parallel_loop3A_135  : i32 {
        %parallel_loop3A_138 = arith.constant 0 : i32
        %parallel_loop3A_139 = arith.addi %parallel_loop3A_137, %parallel_loop3A_138 : i32
        %parallel_loop3A_140 = arith.index_cast %scan3A_132 : i32 to index
        %parallel_loop3A_141 = arith.index_cast %parallel_loop3A_139 : i32 to index
        %parallel_loop3A_142 = tpu.vector_load %arg5[%parallel_loop3A_140, %parallel_loop3A_141] {strides = array<i32>} : memref<8x2048xf32, #tpu.memory_space<vmem>>, vector<1x16xf32>,
        %parallel_loop3A_143 = vector.shape_cast %parallel_loop3A_142 : vector<1x16xf32> to vector<16xf32>
        %parallel_loop3A_144 = arith.index_cast %scan3A_132 : i32 to index
        %parallel_loop3A_145 = arith.index_cast %parallel_loop3A_139 : i32 to index
        %parallel_loop3A_146 = tpu.vector_load %arg9[%parallel_loop3A_144, %parallel_loop3A_145] {strides = array<i32>} : memref<8x2048xf32, #tpu.memory_space<vmem>>, vector<1x16xf32>,
        %parallel_loop3A_147 = vector.shape_cast %parallel_loop3A_146 : vector<1x16xf32> to vector<16xf32>
        %parallel_loop3A_148 = arith.addf %parallel_loop3A_143, %parallel_loop3A_147 : vector<16xf32>
        %parallel_loop3A_149 = arith.index_cast %scan3A_132 : i32 to index
        %parallel_loop3A_150 = arith.index_cast %parallel_loop3A_139 : i32 to index
        %parallel_loop3A_151 = tpu.vector_load %arg5[%parallel_loop3A_149, %parallel_loop3A_150] {strides = array<i32>} : memref<8x2048xf32, #tpu.memory_space<vmem>>, vector<1x16xf32>,
        %parallel_loop3A_152 = vector.shape_cast %parallel_loop3A_151 : vector<1x16xf32> to vector<16xf32>
        %parallel_loop3A_153 = vector.shape_cast %parallel_loop3A_148 : vector<16xf32> to vector<1x16xf32>
        tpu.vector_store %arg5[%parallel_loop3A_149, %parallel_loop3A_150], %parallel_loop3A_153 {strides = array<i32>} : memref<8x2048xf32, #tpu.memory_space<vmem>>, vector<1x16xf32>,
        %parallel_loop3A_154 = arith.constant 16 : i32
        %parallel_loop3A_155 = arith.addi %parallel_loop3A_137, %parallel_loop3A_154 : i32
        %parallel_loop3A_156 = arith.index_cast %scan3A_132 : i32 to index
        %parallel_loop3A_157 = arith.index_cast %parallel_loop3A_155 : i32 to index
        %parallel_loop3A_158 = tpu.vector_load %arg5[%parallel_loop3A_156, %parallel_loop3A_157] {strides = array<i32>} : memref<8x2048xf32, #tpu.memory_space<vmem>>, vector<1x16xf32>,
        %parallel_loop3A_159 = vector.shape_cast %parallel_loop3A_158 : vector<1x16xf32> to vector<16xf32>
        %parallel_loop3A_160 = arith.index_cast %scan3A_132 : i32 to index
        %parallel_loop3A_161 = arith.index_cast %parallel_loop3A_155 : i32 to index
        %parallel_loop3A_162 = tpu.vector_load %arg9[%parallel_loop3A_160, %parallel_loop3A_161] {strides = array<i32>} : memref<8x2048xf32, #tpu.memory_space<vmem>>, vector<1x16xf32>,
        %parallel_loop3A_163 = vector.shape_cast %parallel_loop3A_162 : vector<1x16xf32> to vector<16xf32>
        %parallel_loop3A_164 = arith.addf %parallel_loop3A_159, %parallel_loop3A_163 : vector<16xf32>
        %parallel_loop3A_165 = arith.index_cast %scan3A_132 : i32 to index
        %parallel_loop3A_166 = arith.index_cast %parallel_loop3A_155 : i32 to index
        %parallel_loop3A_167 = tpu.vector_load %arg5[%parallel_loop3A_165, %parallel_loop3A_166] {strides = array<i32>} : memref<8x2048xf32, #tpu.memory_space<vmem>>, vector<1x16xf32>,
        %parallel_loop3A_168 = vector.shape_cast %parallel_loop3A_167 : vector<1x16xf32> to vector<16xf32>
        %parallel_loop3A_169 = vector.shape_cast %parallel_loop3A_164 : vector<16xf32> to vector<1x16xf32>
        tpu.vector_store %arg5[%parallel_loop3A_165, %parallel_loop3A_166], %parallel_loop3A_169 {strides = array<i32>} : memref<8x2048xf32, #tpu.memory_space<vmem>>, vector<1x16xf32>,
        %parallel_loop3A_170 = arith.constant 32 : i32
        %parallel_loop3A_171 = arith.addi %parallel_loop3A_137, %parallel_loop3A_170 : i32
        %parallel_loop3A_172 = arith.index_cast %scan3A_132 : i32 to index
        %parallel_loop3A_173 = arith.index_cast %parallel_loop3A_171 : i32 to index
        %parallel_loop3A_174 = tpu.vector_load %arg5[%parallel_loop3A_172, %parallel_loop3A_173] {strides = array<i32>} : memref<8x2048xf32, #tpu.memory_space<vmem>>, vector<1x16xf32>,
        %parallel_loop3A_175 = vector.shape_cast %parallel_loop3A_174 : vector<1x16xf32> to vector<16xf32>
        %parallel_loop3A_176 = arith.index_cast %scan3A_132 : i32 to index
        %parallel_loop3A_177 = arith.index_cast %parallel_loop3A_171 : i32 to index
        %parallel_loop3A_178 = tpu.vector_load %arg9[%parallel_loop3A_176, %parallel_loop3A_177] {strides = array<i32>} : memref<8x2048xf32, #tpu.memory_space<vmem>>, vector<1x16xf32>,
        %parallel_loop3A_179 = vector.shape_cast %parallel_loop3A_178 : vector<1x16xf32> to vector<16xf32>
        %parallel_loop3A_180 = arith.addf %parallel_loop3A_175, %parallel_loop3A_179 : vector<16xf32>
        %parallel_loop3A_181 = arith.index_cast %scan3A_132 : i32 to index
        %parallel_loop3A_182 = arith.index_cast %parallel_loop3A_171 : i32 to index
        %parallel_loop3A_183 = tpu.vector_load %arg5[%parallel_loop3A_181, %parallel_loop3A_182] {strides = array<i32>} : memref<8x2048xf32, #tpu.memory_space<vmem>>, vector<1x16xf32>,
        %parallel_loop3A_184 = vector.shape_cast %parallel_loop3A_183 : vector<1x16xf32> to vector<16xf32>
        %parallel_loop3A_185 = vector.shape_cast %parallel_loop3A_180 : vector<16xf32> to vector<1x16xf32>
        tpu.vector_store %arg5[%parallel_loop3A_181, %parallel_loop3A_182], %parallel_loop3A_185 {strides = array<i32>} : memref<8x2048xf32, #tpu.memory_space<vmem>>, vector<1x16xf32>,
        %parallel_loop3A_186 = arith.constant 48 : i32
        %parallel_loop3A_187 = arith.addi %parallel_loop3A_137, %parallel_loop3A_186 : i32
        %parallel_loop3A_188 = arith.index_cast %scan3A_132 : i32 to index
        %parallel_loop3A_189 = arith.index_cast %parallel_loop3A_187 : i32 to index
        %parallel_loop3A_190 = tpu.vector_load %arg5[%parallel_loop3A_188, %parallel_loop3A_189] {strides = array<i32>} : memref<8x2048xf32, #tpu.memory_space<vmem>>, vector<1x16xf32>,
        %parallel_loop3A_191 = vector.shape_cast %parallel_loop3A_190 : vector<1x16xf32> to vector<16xf32>
        %parallel_loop3A_192 = arith.index_cast %scan3A_132 : i32 to index
        %parallel_loop3A_193 = arith.index_cast %parallel_loop3A_187 : i32 to index
        %parallel_loop3A_194 = tpu.vector_load %arg9[%parallel_loop3A_192, %parallel_loop3A_193] {strides = array<i32>} : memref<8x2048xf32, #tpu.memory_space<vmem>>, vector<1x16xf32>,
        %parallel_loop3A_195 = vector.shape_cast %parallel_loop3A_194 : vector<1x16xf32> to vector<16xf32>
        %parallel_loop3A_196 = arith.addf %parallel_loop3A_191, %parallel_loop3A_195 : vector<16xf32>
        %parallel_loop3A_197 = arith.index_cast %scan3A_132 : i32 to index
        %parallel_loop3A_198 = arith.index_cast %parallel_loop3A_187 : i32 to index
        %parallel_loop3A_199 = tpu.vector_load %arg5[%parallel_loop3A_197, %parallel_loop3A_198] {strides = array<i32>} : memref<8x2048xf32, #tpu.memory_space<vmem>>, vector<1x16xf32>,
        %parallel_loop3A_200 = vector.shape_cast %parallel_loop3A_199 : vector<1x16xf32> to vector<16xf32>
        %parallel_loop3A_201 = vector.shape_cast %parallel_loop3A_196 : vector<16xf32> to vector<1x16xf32>
        tpu.vector_store %arg5[%parallel_loop3A_197, %parallel_loop3A_198], %parallel_loop3A_201 {strides = array<i32>} : memref<8x2048xf32, #tpu.memory_space<vmem>>, vector<1x16xf32>,
        %parallel_loop3A_202 = arith.constant 64 : i32
        %parallel_loop3A_203 = arith.addi %parallel_loop3A_137, %parallel_loop3A_202 : i32
        %parallel_loop3A_204 = arith.index_cast %scan3A_132 : i32 to index
        %parallel_loop3A_205 = arith.index_cast %parallel_loop3A_203 : i32 to index
        %parallel_loop3A_206 = tpu.vector_load %arg5[%parallel_loop3A_204, %parallel_loop3A_205] {strides = array<i32>} : memref<8x2048xf32, #tpu.memory_space<vmem>>, vector<1x16xf32>,
        %parallel_loop3A_207 = vector.shape_cast %parallel_loop3A_206 : vector<1x16xf32> to vector<16xf32>
        %parallel_loop3A_208 = arith.index_cast %scan3A_132 : i32 to index
        %parallel_loop3A_209 = arith.index_cast %parallel_loop3A_203 : i32 to index
        %parallel_loop3A_210 = tpu.vector_load %arg9[%parallel_loop3A_208, %parallel_loop3A_209] {strides = array<i32>} : memref<8x2048xf32, #tpu.memory_space<vmem>>, vector<1x16xf32>,
        %parallel_loop3A_211 = vector.shape_cast %parallel_loop3A_210 : vector<1x16xf32> to vector<16xf32>
        %parallel_loop3A_212 = arith.addf %parallel_loop3A_207, %parallel_loop3A_211 : vector<16xf32>
        %parallel_loop3A_213 = arith.index_cast %scan3A_132 : i32 to index
        %parallel_loop3A_214 = arith.index_cast %parallel_loop3A_203 : i32 to index
        %parallel_loop3A_215 = tpu.vector_load %arg5[%parallel_loop3A_213, %parallel_loop3A_214] {strides = array<i32>} : memref<8x2048xf32, #tpu.memory_space<vmem>>, vector<1x16xf32>,
        %parallel_loop3A_216 = vector.shape_cast %parallel_loop3A_215 : vector<1x16xf32> to vector<16xf32>
        %parallel_loop3A_217 = vector.shape_cast %parallel_loop3A_212 : vector<16xf32> to vector<1x16xf32>
        tpu.vector_store %arg5[%parallel_loop3A_213, %parallel_loop3A_214], %parallel_loop3A_217 {strides = array<i32>} : memref<8x2048xf32, #tpu.memory_space<vmem>>, vector<1x16xf32>,
        %parallel_loop3A_218 = arith.constant 80 : i32
        %parallel_loop3A_219 = arith.addi %parallel_loop3A_137, %parallel_loop3A_218 : i32
        %parallel_loop3A_220 = arith.index_cast %scan3A_132 : i32 to index
        %parallel_loop3A_221 = arith.index_cast %parallel_loop3A_219 : i32 to index
        %parallel_loop3A_222 = tpu.vector_load %arg5[%parallel_loop3A_220, %parallel_loop3A_221] {strides = array<i32>} : memref<8x2048xf32, #tpu.memory_space<vmem>>, vector<1x16xf32>,
        %parallel_loop3A_223 = vector.shape_cast %parallel_loop3A_222 : vector<1x16xf32> to vector<16xf32>
        %parallel_loop3A_224 = arith.index_cast %scan3A_132 : i32 to index
        %parallel_loop3A_225 = arith.index_cast %parallel_loop3A_219 : i32 to index
        %parallel_loop3A_226 = tpu.vector_load %arg9[%parallel_loop3A_224, %parallel_loop3A_225] {strides = array<i32>} : memref<8x2048xf32, #tpu.memory_space<vmem>>, vector<1x16xf32>,
        %parallel_loop3A_227 = vector.shape_cast %parallel_loop3A_226 : vector<1x16xf32> to vector<16xf32>
        %parallel_loop3A_228 = arith.addf %parallel_loop3A_223, %parallel_loop3A_227 : vector<16xf32>
        %parallel_loop3A_229 = arith.index_cast %scan3A_132 : i32 to index
        %parallel_loop3A_230 = arith.index_cast %parallel_loop3A_219 : i32 to index
        %parallel_loop3A_231 = tpu.vector_load %arg5[%parallel_loop3A_229, %parallel_loop3A_230] {strides = array<i32>} : memref<8x2048xf32, #tpu.memory_space<vmem>>, vector<1x16xf32>,
        %parallel_loop3A_232 = vector.shape_cast %parallel_loop3A_231 : vector<1x16xf32> to vector<16xf32>
        %parallel_loop3A_233 = vector.shape_cast %parallel_loop3A_228 : vector<16xf32> to vector<1x16xf32>
        tpu.vector_store %arg5[%parallel_loop3A_229, %parallel_loop3A_230], %parallel_loop3A_233 {strides = array<i32>} : memref<8x2048xf32, #tpu.memory_space<vmem>>, vector<1x16xf32>,
        %parallel_loop3A_234 = arith.constant 96 : i32
        %parallel_loop3A_235 = arith.addi %parallel_loop3A_137, %parallel_loop3A_234 : i32
        %parallel_loop3A_236 = arith.index_cast %scan3A_132 : i32 to index
        %parallel_loop3A_237 = arith.index_cast %parallel_loop3A_235 : i32 to index
        %parallel_loop3A_238 = tpu.vector_load %arg5[%parallel_loop3A_236, %parallel_loop3A_237] {strides = array<i32>} : memref<8x2048xf32, #tpu.memory_space<vmem>>, vector<1x16xf32>,
        %parallel_loop3A_239 = vector.shape_cast %parallel_loop3A_238 : vector<1x16xf32> to vector<16xf32>
        %parallel_loop3A_240 = arith.index_cast %scan3A_132 : i32 to index
        %parallel_loop3A_241 = arith.index_cast %parallel_loop3A_235 : i32 to index
        %parallel_loop3A_242 = tpu.vector_load %arg9[%parallel_loop3A_240, %parallel_loop3A_241] {strides = array<i32>} : memref<8x2048xf32, #tpu.memory_space<vmem>>, vector<1x16xf32>,
        %parallel_loop3A_243 = vector.shape_cast %parallel_loop3A_242 : vector<1x16xf32> to vector<16xf32>
        %parallel_loop3A_244 = arith.addf %parallel_loop3A_239, %parallel_loop3A_243 : vector<16xf32>
        %parallel_loop3A_245 = arith.index_cast %scan3A_132 : i32 to index
        %parallel_loop3A_246 = arith.index_cast %parallel_loop3A_235 : i32 to index
        %parallel_loop3A_247 = tpu.vector_load %arg5[%parallel_loop3A_245, %parallel_loop3A_246] {strides = array<i32>} : memref<8x2048xf32, #tpu.memory_space<vmem>>, vector<1x16xf32>,
        %parallel_loop3A_248 = vector.shape_cast %parallel_loop3A_247 : vector<1x16xf32> to vector<16xf32>
        %parallel_loop3A_249 = vector.shape_cast %parallel_loop3A_244 : vector<16xf32> to vector<1x16xf32>
        tpu.vector_store %arg5[%parallel_loop3A_245, %parallel_loop3A_246], %parallel_loop3A_249 {strides = array<i32>} : memref<8x2048xf32, #tpu.memory_space<vmem>>, vector<1x16xf32>,
        %parallel_loop3A_250 = arith.constant 112 : i32
        %parallel_loop3A_251 = arith.addi %parallel_loop3A_137, %parallel_loop3A_250 : i32
        %parallel_loop3A_252 = arith.index_cast %scan3A_132 : i32 to index
        %parallel_loop3A_253 = arith.index_cast %parallel_loop3A_251 : i32 to index
        %parallel_loop3A_254 = tpu.vector_load %arg5[%parallel_loop3A_252, %parallel_loop3A_253] {strides = array<i32>} : memref<8x2048xf32, #tpu.memory_space<vmem>>, vector<1x16xf32>,
        %parallel_loop3A_255 = vector.shape_cast %parallel_loop3A_254 : vector<1x16xf32> to vector<16xf32>
        %parallel_loop3A_256 = arith.index_cast %scan3A_132 : i32 to index
        %parallel_loop3A_257 = arith.index_cast %parallel_loop3A_251 : i32 to index
        %parallel_loop3A_258 = tpu.vector_load %arg9[%parallel_loop3A_256, %parallel_loop3A_257] {strides = array<i32>} : memref<8x2048xf32, #tpu.memory_space<vmem>>, vector<1x16xf32>,
        %parallel_loop3A_259 = vector.shape_cast %parallel_loop3A_258 : vector<1x16xf32> to vector<16xf32>
        %parallel_loop3A_260 = arith.addf %parallel_loop3A_255, %parallel_loop3A_259 : vector<16xf32>
        %parallel_loop3A_261 = arith.index_cast %scan3A_132 : i32 to index
        %parallel_loop3A_262 = arith.index_cast %parallel_loop3A_251 : i32 to index
        %parallel_loop3A_263 = tpu.vector_load %arg5[%parallel_loop3A_261, %parallel_loop3A_262] {strides = array<i32>} : memref<8x2048xf32, #tpu.memory_space<vmem>>, vector<1x16xf32>,
        %parallel_loop3A_264 = vector.shape_cast %parallel_loop3A_263 : vector<1x16xf32> to vector<16xf32>
        %parallel_loop3A_265 = vector.shape_cast %parallel_loop3A_260 : vector<16xf32> to vector<1x16xf32>
        tpu.vector_store %arg5[%parallel_loop3A_261, %parallel_loop3A_262], %parallel_loop3A_265 {strides = array<i32>} : memref<8x2048xf32, #tpu.memory_space<vmem>>, vector<1x16xf32>,
      } {sc.loop_unroll_factor = 1 : i64, sc.parallel_access}
      %scan3A_136 = arith.constant 0 : i32
      scf.yield %scan3A_136 : i32
    }
    %scan3A_52 = arith.constant 8 : i32
    %add3A_53 = arith.constant 0 : i32
    %add3A_54 = arith.addi %add3A_53, %add3A_39 : i32
    %dma_start3A_55 = arith.constant 0 : i32
    %dma_start3A_56 = tpu.memref_slice %arg4[%add3A_54, %dma_start3A_55] : memref<8192x2048xf32, #tpu.memory_space<hbm>> -> memref<8x2048xf32, #tpu.memory_space<hbm>>
    %dma_start3A_57 = arith.constant 0 : i32
    %dma_start3A_58 = tpu.memref_slice %arg4[%add3A_54, %dma_start3A_57] : memref<8192x2048xf32, #tpu.memory_space<hbm>> -> memref<8x2048xf32, #tpu.memory_space<hbm>>
    tpu.enqueue_dma source(%arg5 : memref<8x2048xf32, #tpu.memory_space<vmem>>) target(%dma_start3A_58 : memref<8x2048xf32, #tpu.memory_space<hbm>>) target_semaphore(%arg15 : memref<!tpu.dma_semaphore, #tpu.memory_space<semaphore_mem>>)
    %add3A_59 = arith.constant 0 : i32
    %add3A_60 = arith.addi %mul3A_2, %add3A_59 : i32
    %dma_wait3A_61 = arith.constant 0 : i32
    %dma_wait3A_62 = tpu.memref_slice %arg2[%add3A_17, %dma_wait3A_61] : memref<8192x2048xf32, #tpu.memory_space<hbm>> -> memref<8x2048xf32, #tpu.memory_space<hbm>>
    %dma_wait3A_63 = arith.constant 0 : i32
    %dma_wait3A_64 = tpu.memref_slice %arg2[%add3A_17, %dma_wait3A_63] : memref<8192x2048xf32, #tpu.memory_space<hbm>> -> memref<8x2048xf32, #tpu.memory_space<hbm>>
    tpu.wait_dma2 semaphore(%arg12 : memref<!tpu.dma_semaphore, #tpu.memory_space<semaphore_mem>>) src(%dma_wait3A_64 : memref<8x2048xf32, #tpu.memory_space<hbm>>) dst(%arg6 : memref<8x2048xf32, #tpu.memory_space<vmem>>)
    %scan3A_65 = arith.constant 0 : i32
    %scan3A_66 = arith.constant 0 : i32
    %scan3A_67 = arith.constant 8 : i32
    %scan3A_68 = arith.addi %scan3A_66, %scan3A_67 : i32
    %scan3A_69 = arith.constant 1 : i32
    %scan3A_70 = scf.for %scan3A_132 = %scan3A_66 to %scan3A_68 step %scan3A_69 iter_args(%scan3A_133 = %scan3A_65) -> (i32)  : i32 {
      %parallel_loop3A = arith.constant 0 : i32
      %parallel_loop3A_134 = arith.constant 2048 : i32
      %parallel_loop3A_135 = arith.constant 128 : i32
      scf.for %parallel_loop3A_137 = %parallel_loop3A to %parallel_loop3A_134 step %parallel_loop3A_135  : i32 {
        %parallel_loop3A_138 = arith.constant 0 : i32
        %parallel_loop3A_139 = arith.addi %parallel_loop3A_137, %parallel_loop3A_138 : i32
        %parallel_loop3A_140 = arith.index_cast %scan3A_132 : i32 to index
        %parallel_loop3A_141 = arith.index_cast %parallel_loop3A_139 : i32 to index
        %parallel_loop3A_142 = tpu.vector_load %arg6[%parallel_loop3A_140, %parallel_loop3A_141] {strides = array<i32>} : memref<8x2048xf32, #tpu.memory_space<vmem>>, vector<1x16xf32>,
        %parallel_loop3A_143 = vector.shape_cast %parallel_loop3A_142 : vector<1x16xf32> to vector<16xf32>
        %parallel_loop3A_144 = arith.index_cast %scan3A_132 : i32 to index
        %parallel_loop3A_145 = arith.index_cast %parallel_loop3A_139 : i32 to index
        %parallel_loop3A_146 = tpu.vector_load %arg9[%parallel_loop3A_144, %parallel_loop3A_145] {strides = array<i32>} : memref<8x2048xf32, #tpu.memory_space<vmem>>, vector<1x16xf32>,
        %parallel_loop3A_147 = vector.shape_cast %parallel_loop3A_146 : vector<1x16xf32> to vector<16xf32>
        %parallel_loop3A_148 = arith.addf %parallel_loop3A_143, %parallel_loop3A_147 : vector<16xf32>
        %parallel_loop3A_149 = arith.index_cast %scan3A_132 : i32 to index
        %parallel_loop3A_150 = arith.index_cast %parallel_loop3A_139 : i32 to index
        %parallel_loop3A_151 = tpu.vector_load %arg6[%parallel_loop3A_149, %parallel_loop3A_150] {strides = array<i32>} : memref<8x2048xf32, #tpu.memory_space<vmem>>, vector<1x16xf32>,
        %parallel_loop3A_152 = vector.shape_cast %parallel_loop3A_151 : vector<1x16xf32> to vector<16xf32>
        %parallel_loop3A_153 = vector.shape_cast %parallel_loop3A_148 : vector<16xf32> to vector<1x16xf32>
        tpu.vector_store %arg6[%parallel_loop3A_149, %parallel_loop3A_150], %parallel_loop3A_153 {strides = array<i32>} : memref<8x2048xf32, #tpu.memory_space<vmem>>, vector<1x16xf32>,
        %parallel_loop3A_154 = arith.constant 16 : i32
        %parallel_loop3A_155 = arith.addi %parallel_loop3A_137, %parallel_loop3A_154 : i32
        %parallel_loop3A_156 = arith.index_cast %scan3A_132 : i32 to index
        %parallel_loop3A_157 = arith.index_cast %parallel_loop3A_155 : i32 to index
        %parallel_loop3A_158 = tpu.vector_load %arg6[%parallel_loop3A_156, %parallel_loop3A_157] {strides = array<i32>} : memref<8x2048xf32, #tpu.memory_space<vmem>>, vector<1x16xf32>,
        %parallel_loop3A_159 = vector.shape_cast %parallel_loop3A_158 : vector<1x16xf32> to vector<16xf32>
        %parallel_loop3A_160 = arith.index_cast %scan3A_132 : i32 to index
        %parallel_loop3A_161 = arith.index_cast %parallel_loop3A_155 : i32 to index
        %parallel_loop3A_162 = tpu.vector_load %arg9[%parallel_loop3A_160, %parallel_loop3A_161] {strides = array<i32>} : memref<8x2048xf32, #tpu.memory_space<vmem>>, vector<1x16xf32>,
        %parallel_loop3A_163 = vector.shape_cast %parallel_loop3A_162 : vector<1x16xf32> to vector<16xf32>
        %parallel_loop3A_164 = arith.addf %parallel_loop3A_159, %parallel_loop3A_163 : vector<16xf32>
        %parallel_loop3A_165 = arith.index_cast %scan3A_132 : i32 to index
        %parallel_loop3A_166 = arith.index_cast %parallel_loop3A_155 : i32 to index
        %parallel_loop3A_167 = tpu.vector_load %arg6[%parallel_loop3A_165, %parallel_loop3A_166] {strides = array<i32>} : memref<8x2048xf32, #tpu.memory_space<vmem>>, vector<1x16xf32>,
        %parallel_loop3A_168 = vector.shape_cast %parallel_loop3A_167 : vector<1x16xf32> to vector<16xf32>
        %parallel_loop3A_169 = vector.shape_cast %parallel_loop3A_164 : vector<16xf32> to vector<1x16xf32>
        tpu.vector_store %arg6[%parallel_loop3A_165, %parallel_loop3A_166], %parallel_loop3A_169 {strides = array<i32>} : memref<8x2048xf32, #tpu.memory_space<vmem>>, vector<1x16xf32>,
        %parallel_loop3A_170 = arith.constant 32 : i32
        %parallel_loop3A_171 = arith.addi %parallel_loop3A_137, %parallel_loop3A_170 : i32
        %parallel_loop3A_172 = arith.index_cast %scan3A_132 : i32 to index
        %parallel_loop3A_173 = arith.index_cast %parallel_loop3A_171 : i32 to index
        %parallel_loop3A_174 = tpu.vector_load %arg6[%parallel_loop3A_172, %parallel_loop3A_173] {strides = array<i32>} : memref<8x2048xf32, #tpu.memory_space<vmem>>, vector<1x16xf32>,
        %parallel_loop3A_175 = vector.shape_cast %parallel_loop3A_174 : vector<1x16xf32> to vector<16xf32>
        %parallel_loop3A_176 = arith.index_cast %scan3A_132 : i32 to index
        %parallel_loop3A_177 = arith.index_cast %parallel_loop3A_171 : i32 to index
        %parallel_loop3A_178 = tpu.vector_load %arg9[%parallel_loop3A_176, %parallel_loop3A_177] {strides = array<i32>} : memref<8x2048xf32, #tpu.memory_space<vmem>>, vector<1x16xf32>,
        %parallel_loop3A_179 = vector.shape_cast %parallel_loop3A_178 : vector<1x16xf32> to vector<16xf32>
        %parallel_loop3A_180 = arith.addf %parallel_loop3A_175, %parallel_loop3A_179 : vector<16xf32>
        %parallel_loop3A_181 = arith.index_cast %scan3A_132 : i32 to index
        %parallel_loop3A_182 = arith.index_cast %parallel_loop3A_171 : i32 to index
        %parallel_loop3A_183 = tpu.vector_load %arg6[%parallel_loop3A_181, %parallel_loop3A_182] {strides = array<i32>} : memref<8x2048xf32, #tpu.memory_space<vmem>>, vector<1x16xf32>,
        %parallel_loop3A_184 = vector.shape_cast %parallel_loop3A_183 : vector<1x16xf32> to vector<16xf32>
        %parallel_loop3A_185 = vector.shape_cast %parallel_loop3A_180 : vector<16xf32> to vector<1x16xf32>
        tpu.vector_store %arg6[%parallel_loop3A_181, %parallel_loop3A_182], %parallel_loop3A_185 {strides = array<i32>} : memref<8x2048xf32, #tpu.memory_space<vmem>>, vector<1x16xf32>,
        %parallel_loop3A_186 = arith.constant 48 : i32
        %parallel_loop3A_187 = arith.addi %parallel_loop3A_137, %parallel_loop3A_186 : i32
        %parallel_loop3A_188 = arith.index_cast %scan3A_132 : i32 to index
        %parallel_loop3A_189 = arith.index_cast %parallel_loop3A_187 : i32 to index
        %parallel_loop3A_190 = tpu.vector_load %arg6[%parallel_loop3A_188, %parallel_loop3A_189] {strides = array<i32>} : memref<8x2048xf32, #tpu.memory_space<vmem>>, vector<1x16xf32>,
        %parallel_loop3A_191 = vector.shape_cast %parallel_loop3A_190 : vector<1x16xf32> to vector<16xf32>
        %parallel_loop3A_192 = arith.index_cast %scan3A_132 : i32 to index
        %parallel_loop3A_193 = arith.index_cast %parallel_loop3A_187 : i32 to index
        %parallel_loop3A_194 = tpu.vector_load %arg9[%parallel_loop3A_192, %parallel_loop3A_193] {strides = array<i32>} : memref<8x2048xf32, #tpu.memory_space<vmem>>, vector<1x16xf32>,
        %parallel_loop3A_195 = vector.shape_cast %parallel_loop3A_194 : vector<1x16xf32> to vector<16xf32>
        %parallel_loop3A_196 = arith.addf %parallel_loop3A_191, %parallel_loop3A_195 : vector<16xf32>
        %parallel_loop3A_197 = arith.index_cast %scan3A_132 : i32 to index
        %parallel_loop3A_198 = arith.index_cast %parallel_loop3A_187 : i32 to index
        %parallel_loop3A_199 = tpu.vector_load %arg6[%parallel_loop3A_197, %parallel_loop3A_198] {strides = array<i32>} : memref<8x2048xf32, #tpu.memory_space<vmem>>, vector<1x16xf32>,
        %parallel_loop3A_200 = vector.shape_cast %parallel_loop3A_199 : vector<1x16xf32> to vector<16xf32>
        %parallel_loop3A_201 = vector.shape_cast %parallel_loop3A_196 : vector<16xf32> to vector<1x16xf32>
        tpu.vector_store %arg6[%parallel_loop3A_197, %parallel_loop3A_198], %parallel_loop3A_201 {strides = array<i32>} : memref<8x2048xf32, #tpu.memory_space<vmem>>, vector<1x16xf32>,
        %parallel_loop3A_202 = arith.constant 64 : i32
        %parallel_loop3A_203 = arith.addi %parallel_loop3A_137, %parallel_loop3A_202 : i32
        %parallel_loop3A_204 = arith.index_cast %scan3A_132 : i32 to index
        %parallel_loop3A_205 = arith.index_cast %parallel_loop3A_203 : i32 to index
        %parallel_loop3A_206 = tpu.vector_load %arg6[%parallel_loop3A_204, %parallel_loop3A_205] {strides = array<i32>} : memref<8x2048xf32, #tpu.memory_space<vmem>>, vector<1x16xf32>,
        %parallel_loop3A_207 = vector.shape_cast %parallel_loop3A_206 : vector<1x16xf32> to vector<16xf32>
        %parallel_loop3A_208 = arith.index_cast %scan3A_132 : i32 to index
        %parallel_loop3A_209 = arith.index_cast %parallel_loop3A_203 : i32 to index
        %parallel_loop3A_210 = tpu.vector_load %arg9[%parallel_loop3A_208, %parallel_loop3A_209] {strides = array<i32>} : memref<8x2048xf32, #tpu.memory_space<vmem>>, vector<1x16xf32>,
        %parallel_loop3A_211 = vector.shape_cast %parallel_loop3A_210 : vector<1x16xf32> to vector<16xf32>
        %parallel_loop3A_212 = arith.addf %parallel_loop3A_207, %parallel_loop3A_211 : vector<16xf32>
        %parallel_loop3A_213 = arith.index_cast %scan3A_132 : i32 to index
        %parallel_loop3A_214 = arith.index_cast %parallel_loop3A_203 : i32 to index
        %parallel_loop3A_215 = tpu.vector_load %arg6[%parallel_loop3A_213, %parallel_loop3A_214] {strides = array<i32>} : memref<8x2048xf32, #tpu.memory_space<vmem>>, vector<1x16xf32>,
        %parallel_loop3A_216 = vector.shape_cast %parallel_loop3A_215 : vector<1x16xf32> to vector<16xf32>
        %parallel_loop3A_217 = vector.shape_cast %parallel_loop3A_212 : vector<16xf32> to vector<1x16xf32>
        tpu.vector_store %arg6[%parallel_loop3A_213, %parallel_loop3A_214], %parallel_loop3A_217 {strides = array<i32>} : memref<8x2048xf32, #tpu.memory_space<vmem>>, vector<1x16xf32>,
        %parallel_loop3A_218 = arith.constant 80 : i32
        %parallel_loop3A_219 = arith.addi %parallel_loop3A_137, %parallel_loop3A_218 : i32
        %parallel_loop3A_220 = arith.index_cast %scan3A_132 : i32 to index
        %parallel_loop3A_221 = arith.index_cast %parallel_loop3A_219 : i32 to index
        %parallel_loop3A_222 = tpu.vector_load %arg6[%parallel_loop3A_220, %parallel_loop3A_221] {strides = array<i32>} : memref<8x2048xf32, #tpu.memory_space<vmem>>, vector<1x16xf32>,
        %parallel_loop3A_223 = vector.shape_cast %parallel_loop3A_222 : vector<1x16xf32> to vector<16xf32>
        %parallel_loop3A_224 = arith.index_cast %scan3A_132 : i32 to index
        %parallel_loop3A_225 = arith.index_cast %parallel_loop3A_219 : i32 to index
        %parallel_loop3A_226 = tpu.vector_load %arg9[%parallel_loop3A_224, %parallel_loop3A_225] {strides = array<i32>} : memref<8x2048xf32, #tpu.memory_space<vmem>>, vector<1x16xf32>,
        %parallel_loop3A_227 = vector.shape_cast %parallel_loop3A_226 : vector<1x16xf32> to vector<16xf32>
        %parallel_loop3A_228 = arith.addf %parallel_loop3A_223, %parallel_loop3A_227 : vector<16xf32>
        %parallel_loop3A_229 = arith.index_cast %scan3A_132 : i32 to index
        %parallel_loop3A_230 = arith.index_cast %parallel_loop3A_219 : i32 to index
        %parallel_loop3A_231 = tpu.vector_load %arg6[%parallel_loop3A_229, %parallel_loop3A_230] {strides = array<i32>} : memref<8x2048xf32, #tpu.memory_space<vmem>>, vector<1x16xf32>,
        %parallel_loop3A_232 = vector.shape_cast %parallel_loop3A_231 : vector<1x16xf32> to vector<16xf32>
        %parallel_loop3A_233 = vector.shape_cast %parallel_loop3A_228 : vector<16xf32> to vector<1x16xf32>
        tpu.vector_store %arg6[%parallel_loop3A_229, %parallel_loop3A_230], %parallel_loop3A_233 {strides = array<i32>} : memref<8x2048xf32, #tpu.memory_space<vmem>>, vector<1x16xf32>,
        %parallel_loop3A_234 = arith.constant 96 : i32
        %parallel_loop3A_235 = arith.addi %parallel_loop3A_137, %parallel_loop3A_234 : i32
        %parallel_loop3A_236 = arith.index_cast %scan3A_132 : i32 to index
        %parallel_loop3A_237 = arith.index_cast %parallel_loop3A_235 : i32 to index
        %parallel_loop3A_238 = tpu.vector_load %arg6[%parallel_loop3A_236, %parallel_loop3A_237] {strides = array<i32>} : memref<8x2048xf32, #tpu.memory_space<vmem>>, vector<1x16xf32>,
        %parallel_loop3A_239 = vector.shape_cast %parallel_loop3A_238 : vector<1x16xf32> to vector<16xf32>
        %parallel_loop3A_240 = arith.index_cast %scan3A_132 : i32 to index
        %parallel_loop3A_241 = arith.index_cast %parallel_loop3A_235 : i32 to index
        %parallel_loop3A_242 = tpu.vector_load %arg9[%parallel_loop3A_240, %parallel_loop3A_241] {strides = array<i32>} : memref<8x2048xf32, #tpu.memory_space<vmem>>, vector<1x16xf32>,
        %parallel_loop3A_243 = vector.shape_cast %parallel_loop3A_242 : vector<1x16xf32> to vector<16xf32>
        %parallel_loop3A_244 = arith.addf %parallel_loop3A_239, %parallel_loop3A_243 : vector<16xf32>
        %parallel_loop3A_245 = arith.index_cast %scan3A_132 : i32 to index
        %parallel_loop3A_246 = arith.index_cast %parallel_loop3A_235 : i32 to index
        %parallel_loop3A_247 = tpu.vector_load %arg6[%parallel_loop3A_245, %parallel_loop3A_246] {strides = array<i32>} : memref<8x2048xf32, #tpu.memory_space<vmem>>, vector<1x16xf32>,
        %parallel_loop3A_248 = vector.shape_cast %parallel_loop3A_247 : vector<1x16xf32> to vector<16xf32>
        %parallel_loop3A_249 = vector.shape_cast %parallel_loop3A_244 : vector<16xf32> to vector<1x16xf32>
        tpu.vector_store %arg6[%parallel_loop3A_245, %parallel_loop3A_246], %parallel_loop3A_249 {strides = array<i32>} : memref<8x2048xf32, #tpu.memory_space<vmem>>, vector<1x16xf32>,
        %parallel_loop3A_250 = arith.constant 112 : i32
        %parallel_loop3A_251 = arith.addi %parallel_loop3A_137, %parallel_loop3A_250 : i32
        %parallel_loop3A_252 = arith.index_cast %scan3A_132 : i32 to index
        %parallel_loop3A_253 = arith.index_cast %parallel_loop3A_251 : i32 to index
        %parallel_loop3A_254 = tpu.vector_load %arg6[%parallel_loop3A_252, %parallel_loop3A_253] {strides = array<i32>} : memref<8x2048xf32, #tpu.memory_space<vmem>>, vector<1x16xf32>,
        %parallel_loop3A_255 = vector.shape_cast %parallel_loop3A_254 : vector<1x16xf32> to vector<16xf32>
        %parallel_loop3A_256 = arith.index_cast %scan3A_132 : i32 to index
        %parallel_loop3A_257 = arith.index_cast %parallel_loop3A_251 : i32 to index
        %parallel_loop3A_258 = tpu.vector_load %arg9[%parallel_loop3A_256, %parallel_loop3A_257] {strides = array<i32>} : memref<8x2048xf32, #tpu.memory_space<vmem>>, vector<1x16xf32>,
        %parallel_loop3A_259 = vector.shape_cast %parallel_loop3A_258 : vector<1x16xf32> to vector<16xf32>
        %parallel_loop3A_260 = arith.addf %parallel_loop3A_255, %parallel_loop3A_259 : vector<16xf32>
        %parallel_loop3A_261 = arith.index_cast %scan3A_132 : i32 to index
        %parallel_loop3A_262 = arith.index_cast %parallel_loop3A_251 : i32 to index
        %parallel_loop3A_263 = tpu.vector_load %arg6[%parallel_loop3A_261, %parallel_loop3A_262] {strides = array<i32>} : memref<8x2048xf32, #tpu.memory_space<vmem>>, vector<1x16xf32>,
        %parallel_loop3A_264 = vector.shape_cast %parallel_loop3A_263 : vector<1x16xf32> to vector<16xf32>
        %parallel_loop3A_265 = vector.shape_cast %parallel_loop3A_260 : vector<16xf32> to vector<1x16xf32>
        tpu.vector_store %arg6[%parallel_loop3A_261, %parallel_loop3A_262], %parallel_loop3A_265 {strides = array<i32>} : memref<8x2048xf32, #tpu.memory_space<vmem>>, vector<1x16xf32>,
      } {sc.loop_unroll_factor = 1 : i64, sc.parallel_access}
      %scan3A_136 = arith.constant 0 : i32
      scf.yield %scan3A_136 : i32
    }
    %scan3A_71 = arith.constant 8 : i32
    %add3A_72 = arith.constant 2048 : i32
    %add3A_73 = arith.addi %add3A_72, %add3A_60 : i32
    %dma_start3A_74 = arith.constant 0 : i32
    %dma_start3A_75 = tpu.memref_slice %arg4[%add3A_73, %dma_start3A_74] : memref<8192x2048xf32, #tpu.memory_space<hbm>> -> memref<8x2048xf32, #tpu.memory_space<hbm>>
    %dma_start3A_76 = arith.constant 0 : i32
    %dma_start3A_77 = tpu.memref_slice %arg4[%add3A_73, %dma_start3A_76] : memref<8192x2048xf32, #tpu.memory_space<hbm>> -> memref<8x2048xf32, #tpu.memory_space<hbm>>
    tpu.enqueue_dma source(%arg6 : memref<8x2048xf32, #tpu.memory_space<vmem>>) target(%dma_start3A_77 : memref<8x2048xf32, #tpu.memory_space<hbm>>) target_semaphore(%arg16 : memref<!tpu.dma_semaphore, #tpu.memory_space<semaphore_mem>>)
    %add3A_78 = arith.constant 0 : i32
    %add3A_79 = arith.addi %mul3A_2, %add3A_78 : i32
    %dma_wait3A_80 = arith.constant 0 : i32
    %dma_wait3A_81 = tpu.memref_slice %arg2[%add3A_25, %dma_wait3A_80] : memref<8192x2048xf32, #tpu.memory_space<hbm>> -> memref<8x2048xf32, #tpu.memory_space<hbm>>
    %dma_wait3A_82 = arith.constant 0 : i32
    %dma_wait3A_83 = tpu.memref_slice %arg2[%add3A_25, %dma_wait3A_82] : memref<8192x2048xf32, #tpu.memory_space<hbm>> -> memref<8x2048xf32, #tpu.memory_space<hbm>>
    tpu.wait_dma2 semaphore(%arg13 : memref<!tpu.dma_semaphore, #tpu.memory_space<semaphore_mem>>) src(%dma_wait3A_83 : memref<8x2048xf32, #tpu.memory_space<hbm>>) dst(%arg7 : memref<8x2048xf32, #tpu.memory_space<vmem>>)
    %scan3A_84 = arith.constant 0 : i32
    %scan3A_85 = arith.constant 0 : i32
    %scan3A_86 = arith.constant 8 : i32
    %scan3A_87 = arith.addi %scan3A_85, %scan3A_86 : i32
    %scan3A_88 = arith.constant 1 : i32
    %scan3A_89 = scf.for %scan3A_132 = %scan3A_85 to %scan3A_87 step %scan3A_88 iter_args(%scan3A_133 = %scan3A_84) -> (i32)  : i32 {
      %parallel_loop3A = arith.constant 0 : i32
      %parallel_loop3A_134 = arith.constant 2048 : i32
      %parallel_loop3A_135 = arith.constant 128 : i32
      scf.for %parallel_loop3A_137 = %parallel_loop3A to %parallel_loop3A_134 step %parallel_loop3A_135  : i32 {
        %parallel_loop3A_138 = arith.constant 0 : i32
        %parallel_loop3A_139 = arith.addi %parallel_loop3A_137, %parallel_loop3A_138 : i32
        %parallel_loop3A_140 = arith.index_cast %scan3A_132 : i32 to index
        %parallel_loop3A_141 = arith.index_cast %parallel_loop3A_139 : i32 to index
        %parallel_loop3A_142 = tpu.vector_load %arg7[%parallel_loop3A_140, %parallel_loop3A_141] {strides = array<i32>} : memref<8x2048xf32, #tpu.memory_space<vmem>>, vector<1x16xf32>,
        %parallel_loop3A_143 = vector.shape_cast %parallel_loop3A_142 : vector<1x16xf32> to vector<16xf32>
        %parallel_loop3A_144 = arith.index_cast %scan3A_132 : i32 to index
        %parallel_loop3A_145 = arith.index_cast %parallel_loop3A_139 : i32 to index
        %parallel_loop3A_146 = tpu.vector_load %arg9[%parallel_loop3A_144, %parallel_loop3A_145] {strides = array<i32>} : memref<8x2048xf32, #tpu.memory_space<vmem>>, vector<1x16xf32>,
        %parallel_loop3A_147 = vector.shape_cast %parallel_loop3A_146 : vector<1x16xf32> to vector<16xf32>
        %parallel_loop3A_148 = arith.addf %parallel_loop3A_143, %parallel_loop3A_147 : vector<16xf32>
        %parallel_loop3A_149 = arith.index_cast %scan3A_132 : i32 to index
        %parallel_loop3A_150 = arith.index_cast %parallel_loop3A_139 : i32 to index
        %parallel_loop3A_151 = tpu.vector_load %arg7[%parallel_loop3A_149, %parallel_loop3A_150] {strides = array<i32>} : memref<8x2048xf32, #tpu.memory_space<vmem>>, vector<1x16xf32>,
        %parallel_loop3A_152 = vector.shape_cast %parallel_loop3A_151 : vector<1x16xf32> to vector<16xf32>
        %parallel_loop3A_153 = vector.shape_cast %parallel_loop3A_148 : vector<16xf32> to vector<1x16xf32>
        tpu.vector_store %arg7[%parallel_loop3A_149, %parallel_loop3A_150], %parallel_loop3A_153 {strides = array<i32>} : memref<8x2048xf32, #tpu.memory_space<vmem>>, vector<1x16xf32>,
        %parallel_loop3A_154 = arith.constant 16 : i32
        %parallel_loop3A_155 = arith.addi %parallel_loop3A_137, %parallel_loop3A_154 : i32
        %parallel_loop3A_156 = arith.index_cast %scan3A_132 : i32 to index
        %parallel_loop3A_157 = arith.index_cast %parallel_loop3A_155 : i32 to index
        %parallel_loop3A_158 = tpu.vector_load %arg7[%parallel_loop3A_156, %parallel_loop3A_157] {strides = array<i32>} : memref<8x2048xf32, #tpu.memory_space<vmem>>, vector<1x16xf32>,
        %parallel_loop3A_159 = vector.shape_cast %parallel_loop3A_158 : vector<1x16xf32> to vector<16xf32>
        %parallel_loop3A_160 = arith.index_cast %scan3A_132 : i32 to index
        %parallel_loop3A_161 = arith.index_cast %parallel_loop3A_155 : i32 to index
        %parallel_loop3A_162 = tpu.vector_load %arg9[%parallel_loop3A_160, %parallel_loop3A_161] {strides = array<i32>} : memref<8x2048xf32, #tpu.memory_space<vmem>>, vector<1x16xf32>,
        %parallel_loop3A_163 = vector.shape_cast %parallel_loop3A_162 : vector<1x16xf32> to vector<16xf32>
        %parallel_loop3A_164 = arith.addf %parallel_loop3A_159, %parallel_loop3A_163 : vector<16xf32>
        %parallel_loop3A_165 = arith.index_cast %scan3A_132 : i32 to index
        %parallel_loop3A_166 = arith.index_cast %parallel_loop3A_155 : i32 to index
        %parallel_loop3A_167 = tpu.vector_load %arg7[%parallel_loop3A_165, %parallel_loop3A_166] {strides = array<i32>} : memref<8x2048xf32, #tpu.memory_space<vmem>>, vector<1x16xf32>,
        %parallel_loop3A_168 = vector.shape_cast %parallel_loop3A_167 : vector<1x16xf32> to vector<16xf32>
        %parallel_loop3A_169 = vector.shape_cast %parallel_loop3A_164 : vector<16xf32> to vector<1x16xf32>
        tpu.vector_store %arg7[%parallel_loop3A_165, %parallel_loop3A_166], %parallel_loop3A_169 {strides = array<i32>} : memref<8x2048xf32, #tpu.memory_space<vmem>>, vector<1x16xf32>,
        %parallel_loop3A_170 = arith.constant 32 : i32
        %parallel_loop3A_171 = arith.addi %parallel_loop3A_137, %parallel_loop3A_170 : i32
        %parallel_loop3A_172 = arith.index_cast %scan3A_132 : i32 to index
        %parallel_loop3A_173 = arith.index_cast %parallel_loop3A_171 : i32 to index
        %parallel_loop3A_174 = tpu.vector_load %arg7[%parallel_loop3A_172, %parallel_loop3A_173] {strides = array<i32>} : memref<8x2048xf32, #tpu.memory_space<vmem>>, vector<1x16xf32>,
        %parallel_loop3A_175 = vector.shape_cast %parallel_loop3A_174 : vector<1x16xf32> to vector<16xf32>
        %parallel_loop3A_176 = arith.index_cast %scan3A_132 : i32 to index
        %parallel_loop3A_177 = arith.index_cast %parallel_loop3A_171 : i32 to index
        %parallel_loop3A_178 = tpu.vector_load %arg9[%parallel_loop3A_176, %parallel_loop3A_177] {strides = array<i32>} : memref<8x2048xf32, #tpu.memory_space<vmem>>, vector<1x16xf32>,
        %parallel_loop3A_179 = vector.shape_cast %parallel_loop3A_178 : vector<1x16xf32> to vector<16xf32>
        %parallel_loop3A_180 = arith.addf %parallel_loop3A_175, %parallel_loop3A_179 : vector<16xf32>
        %parallel_loop3A_181 = arith.index_cast %scan3A_132 : i32 to index
        %parallel_loop3A_182 = arith.index_cast %parallel_loop3A_171 : i32 to index
        %parallel_loop3A_183 = tpu.vector_load %arg7[%parallel_loop3A_181, %parallel_loop3A_182] {strides = array<i32>} : memref<8x2048xf32, #tpu.memory_space<vmem>>, vector<1x16xf32>,
        %parallel_loop3A_184 = vector.shape_cast %parallel_loop3A_183 : vector<1x16xf32> to vector<16xf32>
        %parallel_loop3A_185 = vector.shape_cast %parallel_loop3A_180 : vector<16xf32> to vector<1x16xf32>
        tpu.vector_store %arg7[%parallel_loop3A_181, %parallel_loop3A_182], %parallel_loop3A_185 {strides = array<i32>} : memref<8x2048xf32, #tpu.memory_space<vmem>>, vector<1x16xf32>,
        %parallel_loop3A_186 = arith.constant 48 : i32
        %parallel_loop3A_187 = arith.addi %parallel_loop3A_137, %parallel_loop3A_186 : i32
        %parallel_loop3A_188 = arith.index_cast %scan3A_132 : i32 to index
        %parallel_loop3A_189 = arith.index_cast %parallel_loop3A_187 : i32 to index
        %parallel_loop3A_190 = tpu.vector_load %arg7[%parallel_loop3A_188, %parallel_loop3A_189] {strides = array<i32>} : memref<8x2048xf32, #tpu.memory_space<vmem>>, vector<1x16xf32>,
        %parallel_loop3A_191 = vector.shape_cast %parallel_loop3A_190 : vector<1x16xf32> to vector<16xf32>
        %parallel_loop3A_192 = arith.index_cast %scan3A_132 : i32 to index
        %parallel_loop3A_193 = arith.index_cast %parallel_loop3A_187 : i32 to index
        %parallel_loop3A_194 = tpu.vector_load %arg9[%parallel_loop3A_192, %parallel_loop3A_193] {strides = array<i32>} : memref<8x2048xf32, #tpu.memory_space<vmem>>, vector<1x16xf32>,
        %parallel_loop3A_195 = vector.shape_cast %parallel_loop3A_194 : vector<1x16xf32> to vector<16xf32>
        %parallel_loop3A_196 = arith.addf %parallel_loop3A_191, %parallel_loop3A_195 : vector<16xf32>
        %parallel_loop3A_197 = arith.index_cast %scan3A_132 : i32 to index
        %parallel_loop3A_198 = arith.index_cast %parallel_loop3A_187 : i32 to index
        %parallel_loop3A_199 = tpu.vector_load %arg7[%parallel_loop3A_197, %parallel_loop3A_198] {strides = array<i32>} : memref<8x2048xf32, #tpu.memory_space<vmem>>, vector<1x16xf32>,
        %parallel_loop3A_200 = vector.shape_cast %parallel_loop3A_199 : vector<1x16xf32> to vector<16xf32>
        %parallel_loop3A_201 = vector.shape_cast %parallel_loop3A_196 : vector<16xf32> to vector<1x16xf32>
        tpu.vector_store %arg7[%parallel_loop3A_197, %parallel_loop3A_198], %parallel_loop3A_201 {strides = array<i32>} : memref<8x2048xf32, #tpu.memory_space<vmem>>, vector<1x16xf32>,
        %parallel_loop3A_202 = arith.constant 64 : i32
        %parallel_loop3A_203 = arith.addi %parallel_loop3A_137, %parallel_loop3A_202 : i32
        %parallel_loop3A_204 = arith.index_cast %scan3A_132 : i32 to index
        %parallel_loop3A_205 = arith.index_cast %parallel_loop3A_203 : i32 to index
        %parallel_loop3A_206 = tpu.vector_load %arg7[%parallel_loop3A_204, %parallel_loop3A_205] {strides = array<i32>} : memref<8x2048xf32, #tpu.memory_space<vmem>>, vector<1x16xf32>,
        %parallel_loop3A_207 = vector.shape_cast %parallel_loop3A_206 : vector<1x16xf32> to vector<16xf32>
        %parallel_loop3A_208 = arith.index_cast %scan3A_132 : i32 to index
        %parallel_loop3A_209 = arith.index_cast %parallel_loop3A_203 : i32 to index
        %parallel_loop3A_210 = tpu.vector_load %arg9[%parallel_loop3A_208, %parallel_loop3A_209] {strides = array<i32>} : memref<8x2048xf32, #tpu.memory_space<vmem>>, vector<1x16xf32>,
        %parallel_loop3A_211 = vector.shape_cast %parallel_loop3A_210 : vector<1x16xf32> to vector<16xf32>
        %parallel_loop3A_212 = arith.addf %parallel_loop3A_207, %parallel_loop3A_211 : vector<16xf32>
        %parallel_loop3A_213 = arith.index_cast %scan3A_132 : i32 to index
        %parallel_loop3A_214 = arith.index_cast %parallel_loop3A_203 : i32 to index
        %parallel_loop3A_215 = tpu.vector_load %arg7[%parallel_loop3A_213, %parallel_loop3A_214] {strides = array<i32>} : memref<8x2048xf32, #tpu.memory_space<vmem>>, vector<1x16xf32>,
        %parallel_loop3A_216 = vector.shape_cast %parallel_loop3A_215 : vector<1x16xf32> to vector<16xf32>
        %parallel_loop3A_217 = vector.shape_cast %parallel_loop3A_212 : vector<16xf32> to vector<1x16xf32>
        tpu.vector_store %arg7[%parallel_loop3A_213, %parallel_loop3A_214], %parallel_loop3A_217 {strides = array<i32>} : memref<8x2048xf32, #tpu.memory_space<vmem>>, vector<1x16xf32>,
        %parallel_loop3A_218 = arith.constant 80 : i32
        %parallel_loop3A_219 = arith.addi %parallel_loop3A_137, %parallel_loop3A_218 : i32
        %parallel_loop3A_220 = arith.index_cast %scan3A_132 : i32 to index
        %parallel_loop3A_221 = arith.index_cast %parallel_loop3A_219 : i32 to index
        %parallel_loop3A_222 = tpu.vector_load %arg7[%parallel_loop3A_220, %parallel_loop3A_221] {strides = array<i32>} : memref<8x2048xf32, #tpu.memory_space<vmem>>, vector<1x16xf32>,
        %parallel_loop3A_223 = vector.shape_cast %parallel_loop3A_222 : vector<1x16xf32> to vector<16xf32>
        %parallel_loop3A_224 = arith.index_cast %scan3A_132 : i32 to index
        %parallel_loop3A_225 = arith.index_cast %parallel_loop3A_219 : i32 to index
        %parallel_loop3A_226 = tpu.vector_load %arg9[%parallel_loop3A_224, %parallel_loop3A_225] {strides = array<i32>} : memref<8x2048xf32, #tpu.memory_space<vmem>>, vector<1x16xf32>,
        %parallel_loop3A_227 = vector.shape_cast %parallel_loop3A_226 : vector<1x16xf32> to vector<16xf32>
        %parallel_loop3A_228 = arith.addf %parallel_loop3A_223, %parallel_loop3A_227 : vector<16xf32>
        %parallel_loop3A_229 = arith.index_cast %scan3A_132 : i32 to index
        %parallel_loop3A_230 = arith.index_cast %parallel_loop3A_219 : i32 to index
        %parallel_loop3A_231 = tpu.vector_load %arg7[%parallel_loop3A_229, %parallel_loop3A_230] {strides = array<i32>} : memref<8x2048xf32, #tpu.memory_space<vmem>>, vector<1x16xf32>,
        %parallel_loop3A_232 = vector.shape_cast %parallel_loop3A_231 : vector<1x16xf32> to vector<16xf32>
        %parallel_loop3A_233 = vector.shape_cast %parallel_loop3A_228 : vector<16xf32> to vector<1x16xf32>
        tpu.vector_store %arg7[%parallel_loop3A_229, %parallel_loop3A_230], %parallel_loop3A_233 {strides = array<i32>} : memref<8x2048xf32, #tpu.memory_space<vmem>>, vector<1x16xf32>,
        %parallel_loop3A_234 = arith.constant 96 : i32
        %parallel_loop3A_235 = arith.addi %parallel_loop3A_137, %parallel_loop3A_234 : i32
        %parallel_loop3A_236 = arith.index_cast %scan3A_132 : i32 to index
        %parallel_loop3A_237 = arith.index_cast %parallel_loop3A_235 : i32 to index
        %parallel_loop3A_238 = tpu.vector_load %arg7[%parallel_loop3A_236, %parallel_loop3A_237] {strides = array<i32>} : memref<8x2048xf32, #tpu.memory_space<vmem>>, vector<1x16xf32>,
        %parallel_loop3A_239 = vector.shape_cast %parallel_loop3A_238 : vector<1x16xf32> to vector<16xf32>
        %parallel_loop3A_240 = arith.index_cast %scan3A_132 : i32 to index
        %parallel_loop3A_241 = arith.index_cast %parallel_loop3A_235 : i32 to index
        %parallel_loop3A_242 = tpu.vector_load %arg9[%parallel_loop3A_240, %parallel_loop3A_241] {strides = array<i32>} : memref<8x2048xf32, #tpu.memory_space<vmem>>, vector<1x16xf32>,
        %parallel_loop3A_243 = vector.shape_cast %parallel_loop3A_242 : vector<1x16xf32> to vector<16xf32>
        %parallel_loop3A_244 = arith.addf %parallel_loop3A_239, %parallel_loop3A_243 : vector<16xf32>
        %parallel_loop3A_245 = arith.index_cast %scan3A_132 : i32 to index
        %parallel_loop3A_246 = arith.index_cast %parallel_loop3A_235 : i32 to index
        %parallel_loop3A_247 = tpu.vector_load %arg7[%parallel_loop3A_245, %parallel_loop3A_246] {strides = array<i32>} : memref<8x2048xf32, #tpu.memory_space<vmem>>, vector<1x16xf32>,
        %parallel_loop3A_248 = vector.shape_cast %parallel_loop3A_247 : vector<1x16xf32> to vector<16xf32>
        %parallel_loop3A_249 = vector.shape_cast %parallel_loop3A_244 : vector<16xf32> to vector<1x16xf32>
        tpu.vector_store %arg7[%parallel_loop3A_245, %parallel_loop3A_246], %parallel_loop3A_249 {strides = array<i32>} : memref<8x2048xf32, #tpu.memory_space<vmem>>, vector<1x16xf32>,
        %parallel_loop3A_250 = arith.constant 112 : i32
        %parallel_loop3A_251 = arith.addi %parallel_loop3A_137, %parallel_loop3A_250 : i32
        %parallel_loop3A_252 = arith.index_cast %scan3A_132 : i32 to index
        %parallel_loop3A_253 = arith.index_cast %parallel_loop3A_251 : i32 to index
        %parallel_loop3A_254 = tpu.vector_load %arg7[%parallel_loop3A_252, %parallel_loop3A_253] {strides = array<i32>} : memref<8x2048xf32, #tpu.memory_space<vmem>>, vector<1x16xf32>,
        %parallel_loop3A_255 = vector.shape_cast %parallel_loop3A_254 : vector<1x16xf32> to vector<16xf32>
        %parallel_loop3A_256 = arith.index_cast %scan3A_132 : i32 to index
        %parallel_loop3A_257 = arith.index_cast %parallel_loop3A_251 : i32 to index
        %parallel_loop3A_258 = tpu.vector_load %arg9[%parallel_loop3A_256, %parallel_loop3A_257] {strides = array<i32>} : memref<8x2048xf32, #tpu.memory_space<vmem>>, vector<1x16xf32>,
        %parallel_loop3A_259 = vector.shape_cast %parallel_loop3A_258 : vector<1x16xf32> to vector<16xf32>
        %parallel_loop3A_260 = arith.addf %parallel_loop3A_255, %parallel_loop3A_259 : vector<16xf32>
        %parallel_loop3A_261 = arith.index_cast %scan3A_132 : i32 to index
        %parallel_loop3A_262 = arith.index_cast %parallel_loop3A_251 : i32 to index
        %parallel_loop3A_263 = tpu.vector_load %arg7[%parallel_loop3A_261, %parallel_loop3A_262] {strides = array<i32>} : memref<8x2048xf32, #tpu.memory_space<vmem>>, vector<1x16xf32>,
        %parallel_loop3A_264 = vector.shape_cast %parallel_loop3A_263 : vector<1x16xf32> to vector<16xf32>
        %parallel_loop3A_265 = vector.shape_cast %parallel_loop3A_260 : vector<16xf32> to vector<1x16xf32>
        tpu.vector_store %arg7[%parallel_loop3A_261, %parallel_loop3A_262], %parallel_loop3A_265 {strides = array<i32>} : memref<8x2048xf32, #tpu.memory_space<vmem>>, vector<1x16xf32>,
      } {sc.loop_unroll_factor = 1 : i64, sc.parallel_access}
      %scan3A_136 = arith.constant 0 : i32
      scf.yield %scan3A_136 : i32
    }
    %scan3A_90 = arith.constant 8 : i32
    %add3A_91 = arith.constant 4096 : i32
    %add3A_92 = arith.addi %add3A_91, %add3A_79 : i32
    %dma_start3A_93 = arith.constant 0 : i32
    %dma_start3A_94 = tpu.memref_slice %arg4[%add3A_92, %dma_start3A_93] : memref<8192x2048xf32, #tpu.memory_space<hbm>> -> memref<8x2048xf32, #tpu.memory_space<hbm>>
    %dma_start3A_95 = arith.constant 0 : i32
    %dma_start3A_96 = tpu.memref_slice %arg4[%add3A_92, %dma_start3A_95] : memref<8192x2048xf32, #tpu.memory_space<hbm>> -> memref<8x2048xf32, #tpu.memory_space<hbm>>
    tpu.enqueue_dma source(%arg7 : memref<8x2048xf32, #tpu.memory_space<vmem>>) target(%dma_start3A_96 : memref<8x2048xf32, #tpu.memory_space<hbm>>) target_semaphore(%arg17 : memref<!tpu.dma_semaphore, #tpu.memory_space<semaphore_mem>>)
    %add3A_97 = arith.constant 0 : i32
    %add3A_98 = arith.addi %mul3A_2, %add3A_97 : i32
    %dma_wait3A_99 = arith.constant 0 : i32
    %dma_wait3A_100 = tpu.memref_slice %arg2[%add3A_33, %dma_wait3A_99] : memref<8192x2048xf32, #tpu.memory_space<hbm>> -> memref<8x2048xf32, #tpu.memory_space<hbm>>
    %dma_wait3A_101 = arith.constant 0 : i32
    %dma_wait3A_102 = tpu.memref_slice %arg2[%add3A_33, %dma_wait3A_101] : memref<8192x2048xf32, #tpu.memory_space<hbm>> -> memref<8x2048xf32, #tpu.memory_space<hbm>>
    tpu.wait_dma2 semaphore(%arg14 : memref<!tpu.dma_semaphore, #tpu.memory_space<semaphore_mem>>) src(%dma_wait3A_102 : memref<8x2048xf32, #tpu.memory_space<hbm>>) dst(%arg8 : memref<8x2048xf32, #tpu.memory_space<vmem>>)
    %scan3A_103 = arith.constant 0 : i32
    %scan3A_104 = arith.constant 0 : i32
    %scan3A_105 = arith.constant 8 : i32
    %scan3A_106 = arith.addi %scan3A_104, %scan3A_105 : i32
    %scan3A_107 = arith.constant 1 : i32
    %scan3A_108 = scf.for %scan3A_132 = %scan3A_104 to %scan3A_106 step %scan3A_107 iter_args(%scan3A_133 = %scan3A_103) -> (i32)  : i32 {
      %parallel_loop3A = arith.constant 0 : i32
      %parallel_loop3A_134 = arith.constant 2048 : i32
      %parallel_loop3A_135 = arith.constant 128 : i32
      scf.for %parallel_loop3A_137 = %parallel_loop3A to %parallel_loop3A_134 step %parallel_loop3A_135  : i32 {
        %parallel_loop3A_138 = arith.constant 0 : i32
        %parallel_loop3A_139 = arith.addi %parallel_loop3A_137, %parallel_loop3A_138 : i32
        %parallel_loop3A_140 = arith.index_cast %scan3A_132 : i32 to index
        %parallel_loop3A_141 = arith.index_cast %parallel_loop3A_139 : i32 to index
        %parallel_loop3A_142 = tpu.vector_load %arg8[%parallel_loop3A_140, %parallel_loop3A_141] {strides = array<i32>} : memref<8x2048xf32, #tpu.memory_space<vmem>>, vector<1x16xf32>,
        %parallel_loop3A_143 = vector.shape_cast %parallel_loop3A_142 : vector<1x16xf32> to vector<16xf32>
        %parallel_loop3A_144 = arith.index_cast %scan3A_132 : i32 to index
        %parallel_loop3A_145 = arith.index_cast %parallel_loop3A_139 : i32 to index
        %parallel_loop3A_146 = tpu.vector_load %arg9[%parallel_loop3A_144, %parallel_loop3A_145] {strides = array<i32>} : memref<8x2048xf32, #tpu.memory_space<vmem>>, vector<1x16xf32>,
        %parallel_loop3A_147 = vector.shape_cast %parallel_loop3A_146 : vector<1x16xf32> to vector<16xf32>
        %parallel_loop3A_148 = arith.addf %parallel_loop3A_143, %parallel_loop3A_147 : vector<16xf32>
        %parallel_loop3A_149 = arith.index_cast %scan3A_132 : i32 to index
        %parallel_loop3A_150 = arith.index_cast %parallel_loop3A_139 : i32 to index
        %parallel_loop3A_151 = tpu.vector_load %arg8[%parallel_loop3A_149, %parallel_loop3A_150] {strides = array<i32>} : memref<8x2048xf32, #tpu.memory_space<vmem>>, vector<1x16xf32>,
        %parallel_loop3A_152 = vector.shape_cast %parallel_loop3A_151 : vector<1x16xf32> to vector<16xf32>
        %parallel_loop3A_153 = vector.shape_cast %parallel_loop3A_148 : vector<16xf32> to vector<1x16xf32>
        tpu.vector_store %arg8[%parallel_loop3A_149, %parallel_loop3A_150], %parallel_loop3A_153 {strides = array<i32>} : memref<8x2048xf32, #tpu.memory_space<vmem>>, vector<1x16xf32>,
        %parallel_loop3A_154 = arith.constant 16 : i32
        %parallel_loop3A_155 = arith.addi %parallel_loop3A_137, %parallel_loop3A_154 : i32
        %parallel_loop3A_156 = arith.index_cast %scan3A_132 : i32 to index
        %parallel_loop3A_157 = arith.index_cast %parallel_loop3A_155 : i32 to index
        %parallel_loop3A_158 = tpu.vector_load %arg8[%parallel_loop3A_156, %parallel_loop3A_157] {strides = array<i32>} : memref<8x2048xf32, #tpu.memory_space<vmem>>, vector<1x16xf32>,
        %parallel_loop3A_159 = vector.shape_cast %parallel_loop3A_158 : vector<1x16xf32> to vector<16xf32>
        %parallel_loop3A_160 = arith.index_cast %scan3A_132 : i32 to index
        %parallel_loop3A_161 = arith.index_cast %parallel_loop3A_155 : i32 to index
        %parallel_loop3A_162 = tpu.vector_load %arg9[%parallel_loop3A_160, %parallel_loop3A_161] {strides = array<i32>} : memref<8x2048xf32, #tpu.memory_space<vmem>>, vector<1x16xf32>,
        %parallel_loop3A_163 = vector.shape_cast %parallel_loop3A_162 : vector<1x16xf32> to vector<16xf32>
        %parallel_loop3A_164 = arith.addf %parallel_loop3A_159, %parallel_loop3A_163 : vector<16xf32>
        %parallel_loop3A_165 = arith.index_cast %scan3A_132 : i32 to index
        %parallel_loop3A_166 = arith.index_cast %parallel_loop3A_155 : i32 to index
        %parallel_loop3A_167 = tpu.vector_load %arg8[%parallel_loop3A_165, %parallel_loop3A_166] {strides = array<i32>} : memref<8x2048xf32, #tpu.memory_space<vmem>>, vector<1x16xf32>,
        %parallel_loop3A_168 = vector.shape_cast %parallel_loop3A_167 : vector<1x16xf32> to vector<16xf32>
        %parallel_loop3A_169 = vector.shape_cast %parallel_loop3A_164 : vector<16xf32> to vector<1x16xf32>
        tpu.vector_store %arg8[%parallel_loop3A_165, %parallel_loop3A_166], %parallel_loop3A_169 {strides = array<i32>} : memref<8x2048xf32, #tpu.memory_space<vmem>>, vector<1x16xf32>,
        %parallel_loop3A_170 = arith.constant 32 : i32
        %parallel_loop3A_171 = arith.addi %parallel_loop3A_137, %parallel_loop3A_170 : i32
        %parallel_loop3A_172 = arith.index_cast %scan3A_132 : i32 to index
        %parallel_loop3A_173 = arith.index_cast %parallel_loop3A_171 : i32 to index
        %parallel_loop3A_174 = tpu.vector_load %arg8[%parallel_loop3A_172, %parallel_loop3A_173] {strides = array<i32>} : memref<8x2048xf32, #tpu.memory_space<vmem>>, vector<1x16xf32>,
        %parallel_loop3A_175 = vector.shape_cast %parallel_loop3A_174 : vector<1x16xf32> to vector<16xf32>
        %parallel_loop3A_176 = arith.index_cast %scan3A_132 : i32 to index
        %parallel_loop3A_177 = arith.index_cast %parallel_loop3A_171 : i32 to index
        %parallel_loop3A_178 = tpu.vector_load %arg9[%parallel_loop3A_176, %parallel_loop3A_177] {strides = array<i32>} : memref<8x2048xf32, #tpu.memory_space<vmem>>, vector<1x16xf32>,
        %parallel_loop3A_179 = vector.shape_cast %parallel_loop3A_178 : vector<1x16xf32> to vector<16xf32>
        %parallel_loop3A_180 = arith.addf %parallel_loop3A_175, %parallel_loop3A_179 : vector<16xf32>
        %parallel_loop3A_181 = arith.index_cast %scan3A_132 : i32 to index
        %parallel_loop3A_182 = arith.index_cast %parallel_loop3A_171 : i32 to index
        %parallel_loop3A_183 = tpu.vector_load %arg8[%parallel_loop3A_181, %parallel_loop3A_182] {strides = array<i32>} : memref<8x2048xf32, #tpu.memory_space<vmem>>, vector<1x16xf32>,
        %parallel_loop3A_184 = vector.shape_cast %parallel_loop3A_183 : vector<1x16xf32> to vector<16xf32>
        %parallel_loop3A_185 = vector.shape_cast %parallel_loop3A_180 : vector<16xf32> to vector<1x16xf32>
        tpu.vector_store %arg8[%parallel_loop3A_181, %parallel_loop3A_182], %parallel_loop3A_185 {strides = array<i32>} : memref<8x2048xf32, #tpu.memory_space<vmem>>, vector<1x16xf32>,
        %parallel_loop3A_186 = arith.constant 48 : i32
        %parallel_loop3A_187 = arith.addi %parallel_loop3A_137, %parallel_loop3A_186 : i32
        %parallel_loop3A_188 = arith.index_cast %scan3A_132 : i32 to index
        %parallel_loop3A_189 = arith.index_cast %parallel_loop3A_187 : i32 to index
        %parallel_loop3A_190 = tpu.vector_load %arg8[%parallel_loop3A_188, %parallel_loop3A_189] {strides = array<i32>} : memref<8x2048xf32, #tpu.memory_space<vmem>>, vector<1x16xf32>,
        %parallel_loop3A_191 = vector.shape_cast %parallel_loop3A_190 : vector<1x16xf32> to vector<16xf32>
        %parallel_loop3A_192 = arith.index_cast %scan3A_132 : i32 to index
        %parallel_loop3A_193 = arith.index_cast %parallel_loop3A_187 : i32 to index
        %parallel_loop3A_194 = tpu.vector_load %arg9[%parallel_loop3A_192, %parallel_loop3A_193] {strides = array<i32>} : memref<8x2048xf32, #tpu.memory_space<vmem>>, vector<1x16xf32>,
        %parallel_loop3A_195 = vector.shape_cast %parallel_loop3A_194 : vector<1x16xf32> to vector<16xf32>
        %parallel_loop3A_196 = arith.addf %parallel_loop3A_191, %parallel_loop3A_195 : vector<16xf32>
        %parallel_loop3A_197 = arith.index_cast %scan3A_132 : i32 to index
        %parallel_loop3A_198 = arith.index_cast %parallel_loop3A_187 : i32 to index
        %parallel_loop3A_199 = tpu.vector_load %arg8[%parallel_loop3A_197, %parallel_loop3A_198] {strides = array<i32>} : memref<8x2048xf32, #tpu.memory_space<vmem>>, vector<1x16xf32>,
        %parallel_loop3A_200 = vector.shape_cast %parallel_loop3A_199 : vector<1x16xf32> to vector<16xf32>
        %parallel_loop3A_201 = vector.shape_cast %parallel_loop3A_196 : vector<16xf32> to vector<1x16xf32>
        tpu.vector_store %arg8[%parallel_loop3A_197, %parallel_loop3A_198], %parallel_loop3A_201 {strides = array<i32>} : memref<8x2048xf32, #tpu.memory_space<vmem>>, vector<1x16xf32>,
        %parallel_loop3A_202 = arith.constant 64 : i32
        %parallel_loop3A_203 = arith.addi %parallel_loop3A_137, %parallel_loop3A_202 : i32
        %parallel_loop3A_204 = arith.index_cast %scan3A_132 : i32 to index
        %parallel_loop3A_205 = arith.index_cast %parallel_loop3A_203 : i32 to index
        %parallel_loop3A_206 = tpu.vector_load %arg8[%parallel_loop3A_204, %parallel_loop3A_205] {strides = array<i32>} : memref<8x2048xf32, #tpu.memory_space<vmem>>, vector<1x16xf32>,
        %parallel_loop3A_207 = vector.shape_cast %parallel_loop3A_206 : vector<1x16xf32> to vector<16xf32>
        %parallel_loop3A_208 = arith.index_cast %scan3A_132 : i32 to index
        %parallel_loop3A_209 = arith.index_cast %parallel_loop3A_203 : i32 to index
        %parallel_loop3A_210 = tpu.vector_load %arg9[%parallel_loop3A_208, %parallel_loop3A_209] {strides = array<i32>} : memref<8x2048xf32, #tpu.memory_space<vmem>>, vector<1x16xf32>,
        %parallel_loop3A_211 = vector.shape_cast %parallel_loop3A_210 : vector<1x16xf32> to vector<16xf32>
        %parallel_loop3A_212 = arith.addf %parallel_loop3A_207, %parallel_loop3A_211 : vector<16xf32>
        %parallel_loop3A_213 = arith.index_cast %scan3A_132 : i32 to index
        %parallel_loop3A_214 = arith.index_cast %parallel_loop3A_203 : i32 to index
        %parallel_loop3A_215 = tpu.vector_load %arg8[%parallel_loop3A_213, %parallel_loop3A_214] {strides = array<i32>} : memref<8x2048xf32, #tpu.memory_space<vmem>>, vector<1x16xf32>,
        %parallel_loop3A_216 = vector.shape_cast %parallel_loop3A_215 : vector<1x16xf32> to vector<16xf32>
        %parallel_loop3A_217 = vector.shape_cast %parallel_loop3A_212 : vector<16xf32> to vector<1x16xf32>
        tpu.vector_store %arg8[%parallel_loop3A_213, %parallel_loop3A_214], %parallel_loop3A_217 {strides = array<i32>} : memref<8x2048xf32, #tpu.memory_space<vmem>>, vector<1x16xf32>,
        %parallel_loop3A_218 = arith.constant 80 : i32
        %parallel_loop3A_219 = arith.addi %parallel_loop3A_137, %parallel_loop3A_218 : i32
        %parallel_loop3A_220 = arith.index_cast %scan3A_132 : i32 to index
        %parallel_loop3A_221 = arith.index_cast %parallel_loop3A_219 : i32 to index
        %parallel_loop3A_222 = tpu.vector_load %arg8[%parallel_loop3A_220, %parallel_loop3A_221] {strides = array<i32>} : memref<8x2048xf32, #tpu.memory_space<vmem>>, vector<1x16xf32>,
        %parallel_loop3A_223 = vector.shape_cast %parallel_loop3A_222 : vector<1x16xf32> to vector<16xf32>
        %parallel_loop3A_224 = arith.index_cast %scan3A_132 : i32 to index
        %parallel_loop3A_225 = arith.index_cast %parallel_loop3A_219 : i32 to index
        %parallel_loop3A_226 = tpu.vector_load %arg9[%parallel_loop3A_224, %parallel_loop3A_225] {strides = array<i32>} : memref<8x2048xf32, #tpu.memory_space<vmem>>, vector<1x16xf32>,
        %parallel_loop3A_227 = vector.shape_cast %parallel_loop3A_226 : vector<1x16xf32> to vector<16xf32>
        %parallel_loop3A_228 = arith.addf %parallel_loop3A_223, %parallel_loop3A_227 : vector<16xf32>
        %parallel_loop3A_229 = arith.index_cast %scan3A_132 : i32 to index
        %parallel_loop3A_230 = arith.index_cast %parallel_loop3A_219 : i32 to index
        %parallel_loop3A_231 = tpu.vector_load %arg8[%parallel_loop3A_229, %parallel_loop3A_230] {strides = array<i32>} : memref<8x2048xf32, #tpu.memory_space<vmem>>, vector<1x16xf32>,
        %parallel_loop3A_232 = vector.shape_cast %parallel_loop3A_231 : vector<1x16xf32> to vector<16xf32>
        %parallel_loop3A_233 = vector.shape_cast %parallel_loop3A_228 : vector<16xf32> to vector<1x16xf32>
        tpu.vector_store %arg8[%parallel_loop3A_229, %parallel_loop3A_230], %parallel_loop3A_233 {strides = array<i32>} : memref<8x2048xf32, #tpu.memory_space<vmem>>, vector<1x16xf32>,
        %parallel_loop3A_234 = arith.constant 96 : i32
        %parallel_loop3A_235 = arith.addi %parallel_loop3A_137, %parallel_loop3A_234 : i32
        %parallel_loop3A_236 = arith.index_cast %scan3A_132 : i32 to index
        %parallel_loop3A_237 = arith.index_cast %parallel_loop3A_235 : i32 to index
        %parallel_loop3A_238 = tpu.vector_load %arg8[%parallel_loop3A_236, %parallel_loop3A_237] {strides = array<i32>} : memref<8x2048xf32, #tpu.memory_space<vmem>>, vector<1x16xf32>,
        %parallel_loop3A_239 = vector.shape_cast %parallel_loop3A_238 : vector<1x16xf32> to vector<16xf32>
        %parallel_loop3A_240 = arith.index_cast %scan3A_132 : i32 to index
        %parallel_loop3A_241 = arith.index_cast %parallel_loop3A_235 : i32 to index
        %parallel_loop3A_242 = tpu.vector_load %arg9[%parallel_loop3A_240, %parallel_loop3A_241] {strides = array<i32>} : memref<8x2048xf32, #tpu.memory_space<vmem>>, vector<1x16xf32>,
        %parallel_loop3A_243 = vector.shape_cast %parallel_loop3A_242 : vector<1x16xf32> to vector<16xf32>
        %parallel_loop3A_244 = arith.addf %parallel_loop3A_239, %parallel_loop3A_243 : vector<16xf32>
        %parallel_loop3A_245 = arith.index_cast %scan3A_132 : i32 to index
        %parallel_loop3A_246 = arith.index_cast %parallel_loop3A_235 : i32 to index
        %parallel_loop3A_247 = tpu.vector_load %arg8[%parallel_loop3A_245, %parallel_loop3A_246] {strides = array<i32>} : memref<8x2048xf32, #tpu.memory_space<vmem>>, vector<1x16xf32>,
        %parallel_loop3A_248 = vector.shape_cast %parallel_loop3A_247 : vector<1x16xf32> to vector<16xf32>
        %parallel_loop3A_249 = vector.shape_cast %parallel_loop3A_244 : vector<16xf32> to vector<1x16xf32>
        tpu.vector_store %arg8[%parallel_loop3A_245, %parallel_loop3A_246], %parallel_loop3A_249 {strides = array<i32>} : memref<8x2048xf32, #tpu.memory_space<vmem>>, vector<1x16xf32>,
        %parallel_loop3A_250 = arith.constant 112 : i32
        %parallel_loop3A_251 = arith.addi %parallel_loop3A_137, %parallel_loop3A_250 : i32
        %parallel_loop3A_252 = arith.index_cast %scan3A_132 : i32 to index
        %parallel_loop3A_253 = arith.index_cast %parallel_loop3A_251 : i32 to index
        %parallel_loop3A_254 = tpu.vector_load %arg8[%parallel_loop3A_252, %parallel_loop3A_253] {strides = array<i32>} : memref<8x2048xf32, #tpu.memory_space<vmem>>, vector<1x16xf32>,
        %parallel_loop3A_255 = vector.shape_cast %parallel_loop3A_254 : vector<1x16xf32> to vector<16xf32>
        %parallel_loop3A_256 = arith.index_cast %scan3A_132 : i32 to index
        %parallel_loop3A_257 = arith.index_cast %parallel_loop3A_251 : i32 to index
        %parallel_loop3A_258 = tpu.vector_load %arg9[%parallel_loop3A_256, %parallel_loop3A_257] {strides = array<i32>} : memref<8x2048xf32, #tpu.memory_space<vmem>>, vector<1x16xf32>,
        %parallel_loop3A_259 = vector.shape_cast %parallel_loop3A_258 : vector<1x16xf32> to vector<16xf32>
        %parallel_loop3A_260 = arith.addf %parallel_loop3A_255, %parallel_loop3A_259 : vector<16xf32>
        %parallel_loop3A_261 = arith.index_cast %scan3A_132 : i32 to index
        %parallel_loop3A_262 = arith.index_cast %parallel_loop3A_251 : i32 to index
        %parallel_loop3A_263 = tpu.vector_load %arg8[%parallel_loop3A_261, %parallel_loop3A_262] {strides = array<i32>} : memref<8x2048xf32, #tpu.memory_space<vmem>>, vector<1x16xf32>,
        %parallel_loop3A_264 = vector.shape_cast %parallel_loop3A_263 : vector<1x16xf32> to vector<16xf32>
        %parallel_loop3A_265 = vector.shape_cast %parallel_loop3A_260 : vector<16xf32> to vector<1x16xf32>
        tpu.vector_store %arg8[%parallel_loop3A_261, %parallel_loop3A_262], %parallel_loop3A_265 {strides = array<i32>} : memref<8x2048xf32, #tpu.memory_space<vmem>>, vector<1x16xf32>,
      } {sc.loop_unroll_factor = 1 : i64, sc.parallel_access}
      %scan3A_136 = arith.constant 0 : i32
      scf.yield %scan3A_136 : i32
    }
    %scan3A_109 = arith.constant 8 : i32
    %add3A_110 = arith.constant 6144 : i32
    %add3A_111 = arith.addi %add3A_110, %add3A_98 : i32
    %dma_start3A_112 = arith.constant 0 : i32
    %dma_start3A_113 = tpu.memref_slice %arg4[%add3A_111, %dma_start3A_112] : memref<8192x2048xf32, #tpu.memory_space<hbm>> -> memref<8x2048xf32, #tpu.memory_space<hbm>>
    %dma_start3A_114 = arith.constant 0 : i32
    %dma_start3A_115 = tpu.memref_slice %arg4[%add3A_111, %dma_start3A_114] : memref<8192x2048xf32, #tpu.memory_space<hbm>> -> memref<8x2048xf32, #tpu.memory_space<hbm>>
    tpu.enqueue_dma source(%arg8 : memref<8x2048xf32, #tpu.memory_space<vmem>>) target(%dma_start3A_115 : memref<8x2048xf32, #tpu.memory_space<hbm>>) target_semaphore(%arg18 : memref<!tpu.dma_semaphore, #tpu.memory_space<semaphore_mem>>)
    %dma_wait3A_116 = arith.constant 0 : i32
    %dma_wait3A_117 = tpu.memref_slice %arg4[%add3A_54, %dma_wait3A_116] : memref<8192x2048xf32, #tpu.memory_space<hbm>> -> memref<8x2048xf32, #tpu.memory_space<hbm>>
    %dma_wait3A_118 = arith.constant 0 : i32
    %dma_wait3A_119 = tpu.memref_slice %arg4[%add3A_54, %dma_wait3A_118] : memref<8192x2048xf32, #tpu.memory_space<hbm>> -> memref<8x2048xf32, #tpu.memory_space<hbm>>
    tpu.wait_dma2 semaphore(%arg15 : memref<!tpu.dma_semaphore, #tpu.memory_space<semaphore_mem>>) src(%arg5 : memref<8x2048xf32, #tpu.memory_space<vmem>>) dst(%dma_wait3A_119 : memref<8x2048xf32, #tpu.memory_space<hbm>>)
    %dma_wait3A_120 = arith.constant 0 : i32
    %dma_wait3A_121 = tpu.memref_slice %arg4[%add3A_73, %dma_wait3A_120] : memref<8192x2048xf32, #tpu.memory_space<hbm>> -> memref<8x2048xf32, #tpu.memory_space<hbm>>
    %dma_wait3A_122 = arith.constant 0 : i32
    %dma_wait3A_123 = tpu.memref_slice %arg4[%add3A_73, %dma_wait3A_122] : memref<8192x2048xf32, #tpu.memory_space<hbm>> -> memref<8x2048xf32, #tpu.memory_space<hbm>>
    tpu.wait_dma2 semaphore(%arg16 : memref<!tpu.dma_semaphore, #tpu.memory_space<semaphore_mem>>) src(%arg6 : memref<8x2048xf32, #tpu.memory_space<vmem>>) dst(%dma_wait3A_123 : memref<8x2048xf32, #tpu.memory_space<hbm>>)
    %dma_wait3A_124 = arith.constant 0 : i32
    %dma_wait3A_125 = tpu.memref_slice %arg4[%add3A_92, %dma_wait3A_124] : memref<8192x2048xf32, #tpu.memory_space<hbm>> -> memref<8x2048xf32, #tpu.memory_space<hbm>>
    %dma_wait3A_126 = arith.constant 0 : i32
    %dma_wait3A_127 = tpu.memref_slice %arg4[%add3A_92, %dma_wait3A_126] : memref<8192x2048xf32, #tpu.memory_space<hbm>> -> memref<8x2048xf32, #tpu.memory_space<hbm>>
    tpu.wait_dma2 semaphore(%arg17 : memref<!tpu.dma_semaphore, #tpu.memory_space<semaphore_mem>>) src(%arg7 : memref<8x2048xf32, #tpu.memory_space<vmem>>) dst(%dma_wait3A_127 : memref<8x2048xf32, #tpu.memory_space<hbm>>)
    %dma_wait3A_128 = arith.constant 0 : i32
    %dma_wait3A_129 = tpu.memref_slice %arg4[%add3A_111, %dma_wait3A_128] : memref<8192x2048xf32, #tpu.memory_space<hbm>> -> memref<8x2048xf32, #tpu.memory_space<hbm>>
    %dma_wait3A_130 = arith.constant 0 : i32
    %dma_wait3A_131 = tpu.memref_slice %arg4[%add3A_111, %dma_wait3A_130] : memref<8192x2048xf32, #tpu.memory_space<hbm>> -> memref<8x2048xf32, #tpu.memory_space<hbm>>
    tpu.wait_dma2 semaphore(%arg18 : memref<!tpu.dma_semaphore, #tpu.memory_space<semaphore_mem>>) src(%arg8 : memref<8x2048xf32, #tpu.memory_space<vmem>>) dst(%dma_wait3A_131 : memref<8x2048xf32, #tpu.memory_space<hbm>>)
    return
  }
}

module attributes {stable_mosaic.version = 14 : i64} {
  func.func @body(%arg0: i32, %arg1: i32, %arg2: memref<1x256x2048xf32, #tpu.memory_space<vmem>>, %arg3: memref<256x2048xf32, #tpu.memory_space<vmem>>, %arg4: memref<4x2048x2048xf32, #tpu.memory_space<any>>, %arg5: memref<1x256x2048xf32, #tpu.memory_space<vmem>>) attributes {dimension_semantics = [#tpu.dimension_semantics<arbitrary>, #tpu.dimension_semantics<arbitrary>], iteration_bounds = array<i64: 7, 4>, scalar_prefetch = 0 : i64, scratch_operands = 0 : i64, tpu.core_type = #tpu.core_type<tc>, window_params = [{transform_indices = @transform_0, window_bounds = array<i64: 1, 256, 2048>}, {transform_indices = @transform_1, window_bounds = array<i64: 256, 2048>}, {}, {transform_indices = @transform_3, window_bounds = array<i64: 1, 256, 2048>}]} {
    %get3A = arith.constant 0 : index
    %get3A_0 = arith.constant 0 : index
    %get3A_1 = arith.constant 0 : index
    %get3A_2 = vector.load %arg2[%get3A, %get3A_0, %get3A_1] : memref<1x256x2048xf32, #tpu.memory_space<vmem>>, vector<1x256x2048xf32>
    %get3A_3 = arith.constant 0 : index
    %get3A_4 = arith.constant 0 : index
    %get3A_5 = vector.load %arg3[%get3A_3, %get3A_4] : memref<256x2048xf32, #tpu.memory_space<vmem>>, vector<256x2048xf32>
    %broadcast_in_dim3A = vector.shape_cast %get3A_5 : vector<256x2048xf32> to vector<1x256x2048xf32>
    %add3A = arith.addf %get3A_2, %broadcast_in_dim3A : vector<1x256x2048xf32>
    %swap3A = arith.constant 0 : index
    %swap3A_6 = arith.constant 0 : index
    %swap3A_7 = arith.constant 0 : index
    %swap3A_8 = vector.load %arg5[%swap3A, %swap3A_6, %swap3A_7] : memref<1x256x2048xf32, #tpu.memory_space<vmem>>, vector<1x256x2048xf32>
    tpu.vector_store %arg5[%swap3A, %swap3A_6, %swap3A_7], %add3A {strides = array<i32>} : memref<1x256x2048xf32, #tpu.memory_space<vmem>>, vector<1x256x2048xf32>,
    return
  }
  func.func @transform_0(%arg0: i32, %arg1: i32) -> (i32, i32, i32) {
    %add3A = arith.constant 1 : i32
    %add3A_0 = arith.addi %arg0, %add3A : i32
    %c0_i32 = arith.constant 0 : i32
    %c0_i32_1 = arith.constant 0 : i32
    return %arg1, %add3A_0, %c0_i32 : i32, i32, i32
  }
  func.func @transform_1(%arg0: i32, %arg1: i32) -> (i32, i32) {
    %add3A = arith.constant 1 : i32
    %add3A_0 = arith.addi %arg0, %add3A : i32
    %c0_i32 = arith.constant 0 : i32
    %c0_i32_1 = arith.constant 0 : i32
    return %add3A_0, %c0_i32 : i32, i32
  }
  func.func @transform_3(%arg0: i32, %arg1: i32) -> (i32, i32, i32) {
    %add3A = arith.constant 1 : i32
    %add3A_0 = arith.addi %arg0, %add3A : i32
    %c0_i32 = arith.constant 0 : i32
    %c0_i32_1 = arith.constant 0 : i32
    return %arg1, %add3A_0, %c0_i32 : i32, i32, i32
  }
}

</mosaic_0001>

<sc_bundles>
// kernel: _hybrid_broadcast_add.4.cloned.1.call-start
scs
__scs_entry_jumppad:
0x0: {  	(pc) =	sbr.rel $0x88, $3  }
0x1: {  	(tag) =	ssettag $0x0;
	lr =	simm.s32 $0x1  }
0x2: {  	[smem:$0x3F9F] =	sst lr;
	_ =	strace $0xD0000000  }
0x3: {  	_ = 	snop  }
0x4: {  	_ = 	snop  }
0x5: {  	_ = 	snop  }
0x6: {  	_ = 	snop  }
0x7: {  	_ = 	snop  }
__scs_overlays_trampoline_lowered:
0x8: {  	[smem:$0x3FAE] =	sst s0  }
0x9: {  	[smem:$0x3FAF] =	sst s1  }
0xa: {  	[smem:$0x3FB0] =	sst s2  }
0xb: {  	[smem:$0x3FB1] =	sst s3  }
0xc: {  	[smem:$0x3FB2] =	sst s4  }
0xd: {  	[smem:$0x3FB3] =	sst s5  }
0xe: {  	[smem:$0x3FB4] =	sst s6  }
0xf: {  	[smem:$0x3FB5] =	sst s7  }
0x10: {  	[smem:$0x3FB6] =	sst s8  }
0x11: {  	[smem:$0x3FB7] =	sst s9;
	s0 =	simm.s32 @!p0 $0x0  }
0x12: {  	s1 =	sld [smem:$0x3F9D];
	s0 =	simm.s32 @p0 $0x1  }
0x13: {  	[smem:$0x3FB8] =	sst s0;
	s0 =	simm.s32 @!p1 $0x0  }
0x14: {  	s2 =	sld [smem:$0x3F9C];
	s0 =	simm.s32 @p1 $0x1  }
0x15: {  	[smem:$0x3FB9] =	sst s0;
	s0 =	simm.s32 @!p2 $0x0  }
0x16: {  	s3 =	sld [smem:$0x3FDB];
	s0 =	simm.s32 @p2 $0x1  }
0x17: {  	s4 =	simm.s32 $0x1BF5;
	[smem:$0x3FBB] =	sst s0  }
0x18: {  	s0 =	sld [smem:$0x3F9E];
	_ =	swait.ge [sflag:s4], $0x0  }
0x19: {  	s7 =	sld [smem:$0x3F9F]  }
0x1a: {  	s8 =	sadd.s32 $0xFFFFE003, lr  }
0x1b: {  	s9 =	sadd.s32 $0xFFFFFEF7, lr;
	s5 =	simm.s32 $0xFFFFFFFF;
	p2 =	slt.u32 s8, $0xFFFFF086  }
0x1c: {  	p1 =	slt.u32 s9, $0xF7A;
	s5 =	simm.s32 @!p2 $0x0  }
0x1d: {  	s5 =	simm.s32 @p1 $0x1;
	p0 =	seq.s32 s7, s2  }
0x1e: {  	s7 =	smul.u32 @!p0 $0xF7A, s2;
	p2 =	seq.s32 @!p0 s5, $0x0  }
0x1f: {  	s9 =	smul.u32 $0xF7A, s1;
	s8 =	simm.s32 @!p0 $0x1BF5;
	p2 =	por !p2, p0  }
0x20: {  	[sflag:s8] =	ssyncset.s32 @!p0 $0xFFFFF086;
	s6 =	sadd.s32 @!p0 s3, s7;
	s7 =	simm.s32 @!p0 $0x108  }
0x21: {  	s3 =	sadd.s32 s3, s9;
	s6 =	sadd.s32 @!p0 $0x88, s6;
	s7 =	simm.s32 @p2 $0x1082  }
0x22: {  	[simem:s7], [sflag:s8] =	dma.local @!p0 [hbm:s6], $0xF7A  }
0x23: {  	s9 =	sor.u32 $0xD0000000, s2;
	s6 =	simm.s32 $0x108;
	_ =	swait.ge @!p0 [sflag:s8], $0x0  }
0x24: {  	s3 =	sadd.s32 $0x88, s3;
	s6 =	simm.s32 @!p1 $0x1082;
	[sflag:s4] =	ssyncset.s32 $0xFFFFF086  }
0x25: {  	[simem:s6], [sflag:s4] =	dma.local [hbm:s3], $0xF7A  }
0x26: {  	[smem:$0x3F9F] =	sst s1;
	(tag) =	ssettag s2;
	_ =	strace s9  }
0x27: {  	s1 =	sld [smem:$0x3FAF]  }
0x28: {  	s2 =	sld [smem:$0x3FB0]  }
0x29: {  	s4 =	sld [smem:$0x3FB2]  }
0x2a: {  	p0 =	seq.s32 s5, $0x0;
	s5 =	sld [smem:$0x3FB3]  }
0x2b: {  	s6 =	sld [smem:$0x3FB4]  }
0x2c: {  	s7 =	sld [smem:$0x3FB5]  }
0x2d: {  	s3 =	simm.s32 $0x108;
	s8 =	sld [smem:$0x3FB6]  }
0x2e: {  	s3 =	simm.s32 @!p0 $0x1082;
	s9 =	sld [smem:$0x3FB7]  }
0x2f: {  	lr =	sadd.s32 s0, s3;
	s0 =	sld [smem:$0x3FAE]  }
0x30: {  	s3 =	sld [smem:$0x3FB1]  }
0x31: {  	[smem:$0x3FBA] =	sst s10  }
0x32: {  	s10 =	sld [smem:$0x3FB8];
	_ =	sdelay $0x3  }
0x33: {  	p0 =	seq.s32 s10, $0x1;
	s10 =	sld [smem:$0x3FBA];
	_ =	sdelay $0x3  }
0x34: {  	[smem:$0x3FBA] =	sst s10  }
0x35: {  	s10 =	sld [smem:$0x3FB9];
	_ =	sdelay $0x3  }
0x36: {  	p1 =	seq.s32 s10, $0x1;
	s10 =	sld [smem:$0x3FBA];
	_ =	sdelay $0x3  }
0x37: {  	[smem:$0x3FBA] =	sst s10  }
0x38: {  	s10 =	sld [smem:$0x3FBB]  }
0x39: {  	_ = 	snop;
	(pc) =	sbr.ind lr, $3  }
0x3a: {  	_ = 	snop  }
0x3b: {  	_ = 	snop  }
0x3c: {  	p2 =	seq.s32 s10, $0x1;
	s10 =	sld [smem:$0x3FBA]  }
0x3d: {  	_ =	shalt  }
0x3e: {  	_ =	shalt  }
0x3f: {  	_ =	shalt  }
0x40: {  	_ =	shalt  }
0x41: {  	_ =	shalt  }
0x42: {  	_ =	shalt  }
0x43: {  	_ =	shalt  }
0x44: {  	_ =	shalt  }
0x45: {  	_ =	shalt  }
0x46: {  	_ =	shalt  }
0x47: {  	_ =	shalt  }
0x48: {  	_ =	shalt  }
0x49: {  	_ =	shalt  }
0x4a: {  	_ =	shalt  }
0x4b: {  	_ =	shalt  }
0x4c: {  	_ =	shalt  }
0x4d: {  	_ =	shalt  }
0x4e: {  	_ =	shalt  }
0x4f: {  	_ =	shalt  }
0x50: {  	_ =	shalt  }
0x51: {  	_ =	shalt  }
0x52: {  	_ =	shalt  }
0x53: {  	_ =	shalt  }
0x54: {  	_ =	shalt  }
0x55: {  	_ =	shalt  }
0x56: {  	_ =	shalt  }
0x57: {  	_ =	shalt  }
0x58: {  	_ =	shalt  }
0x59: {  	_ =	shalt  }
0x5a: {  	_ =	shalt  }
0x5b: {  	_ =	shalt  }
0x5c: {  	_ =	shalt  }
0x5d: {  	_ =	shalt  }
0x5e: {  	_ =	shalt  }
0x5f: {  	_ =	shalt  }
0x60: {  	_ =	shalt  }
0x61: {  	_ =	shalt  }
0x62: {  	_ =	shalt  }
0x63: {  	_ =	shalt  }
0x64: {  	_ =	shalt  }
0x65: {  	_ =	shalt  }
0x66: {  	_ =	shalt  }
0x67: {  	_ =	shalt  }
0x68: {  	_ =	shalt  }
0x69: {  	_ =	shalt  }
0x6a: {  	_ =	shalt  }
0x6b: {  	_ =	shalt  }
0x6c: {  	_ =	shalt  }
0x6d: {  	_ =	shalt  }
0x6e: {  	_ =	shalt  }
0x6f: {  	_ =	shalt  }
0x70: {  	_ =	shalt  }
0x71: {  	_ =	shalt  }
0x72: {  	_ =	shalt  }
0x73: {  	_ =	shalt  }
0x74: {  	_ =	shalt  }
0x75: {  	_ =	shalt  }
0x76: {  	_ =	shalt  }
0x77: {  	_ =	shalt  }
0x78: {  	_ =	shalt  }
0x79: {  	_ =	shalt  }
0x7a: {  	_ =	shalt  }
0x7b: {  	_ =	shalt  }
0x7c: {  	_ =	shalt  }
0x7d: {  	_ =	shalt  }
0x7e: {  	_ =	shalt  }
0x7f: {  	_ =	shalt  }
0x80: {  	_ =	shalt  }
0x81: {  	_ =	shalt  }
0x82: {  	_ =	shalt  }
0x83: {  	_ =	shalt  }
0x84: {  	_ =	shalt  }
0x85: {  	_ =	shalt  }
0x86: {  	_ =	shalt  }
0x87: {  	_ =	shalt  }
.Lfunc_end0:
.L_simem_size_0:
called_computation_lowered:
.L_overlay_start_0:
0x88: {  	s2 =	sld [smem:$0x3FD9]  }
0x89: {  	s3 =	sld [smem:$0x3FFE];
	_ =	sdelay $0x1  }
0x8a: {  	s1 =	srdreg.scid  }
0x8b: {  	s0 =	sand.u32 $0x1, s1  }
0x8c: {  	s18 =	sshll.u32 s0, $0xA;
	s2 =	sadd.s32 s3, s2  }
0x8d: {  	s2 =	sadd.s32 s2, s18  }
0x8e: {  	[smem:$0x3FC6] =	sst s2  }
0x8f: {  	_ = 	snop  }
0x90: {  	s2 =	sld [smem:$0x3FC9]  }
0x91: {  	s19 =	sld [smem:$0x3FC8]  }
0x92: {  	s4 =	sld [smem:$0x3FD0];
	(tm) =	ssettm $0x1  }
0x93: {  	s5 =	sld [smem:$0x3FFB];
	_ =	sdelay $0x3  }
0x94: {  	_ =	strace s5  }
0x95: {  	s5 =	sld [smem:$0x3FFC];
	_ =	sdelay $0x3  }
0x96: {  	_ =	strace s5  }
0x97: {  	s5 =	sld [smem:$0x3FFD];
	_ =	sdelay $0x3  }
0x98: {  	_ =	strace s5  }
0x99: {  	_ =	strace $0x8FFFFFFF  }
0x9a: {  	s20 =	sld [smem:$0x3FDB];
	_ =	sdelay $0x1  }
0x9b: {  	s6 =	simm.s32 $_scs_section_size  }
0x9c: {  	s7 =	simm.s32 $_size__tile_overlayer_lowered;
	s8 =	simm.s32 $_tile_overlayer_lowered  }
0x9d: {  	s23 =	simm.s32 $0x1BFF;
	s22 =	sshll.u32 s8, $0x1;
	s5 =	sadd.s32 s6, s20  }
0x9e: {  	s9 =	simm.s32 $0x0;
	s21 =	sshll.u32 s7, $0x1;
	s7 =	sadd.s32 s22, s5  }
0x9f: {  	[timem:s9], [sflag:s23] =	dma.local [hbm:s7], s21  }
0xa0: {  	_ =	swait.ge [sflag:s23], s21  }
0xa1: {  	s6 =	ssub.s32 $0x0, s21;
	[sflag:s23] =	ssyncset.done $0x0  }
0xa2: {  	[sflag:s23] =	ssyncadd.s32 s6;
	_ =	sdelay $0x1  }
0xa3: {  	s24 =	simm.s32 $0x1B8B  }
0xa4: {  	_ =	swait.ge [sflag:s24], $0x1  }
0xa5: {  	[sflag:s24] =	ssyncset.done $0x0  }
0xa6: {  	s25 =	simm.s32 $0x1B8E;
	[sflag:s24] =	ssyncadd.s32 $0xFFFFFFFF  }
0xa7: {  	s26 =	simm.s32 $execute0_lowered;
	[smem:$0x3FD2] =	sst s25  }
0xa8: {  	s6 =	sshll.u32 s26, $0x1;
	_ =	strace $0x80000046;
	[dreg:$0x1] =	wrdreg $0xFFFFFFFF  }
0xa9: {  	s28 =	simm.s32 $_size_execute0_lowered;
	s5 =	sadd.s32 s5, s6;
	[dreg:$0x0] =	wrdreg $0x0  }
0xaa: {  	s6 =	sshll.u32 s28, $0x1;
	[dreg:$0x2] =	wrdreg s5  }
0xab: {  	[dreg:$0x3] =	wrdreg s6  }
0xac: {  	[dreg:$0x4] =	wrdreg $0xC0  }
0xad: {  	_ =	task [dreg:s9], $0x5FFFF  }
0xae: {  	[dreg:$0x1] =	wrdreg $0xFFFFFFFF  }
0xaf: {  	[dreg:$0x0] =	wrdreg $0x60  }
0xb0: {  	[dreg:$0x2] =	wrdreg s2  }
0xb1: {  	[dreg:$0x3] =	wrdreg s19  }
0xb2: {  	[dreg:$0x4] =	wrdreg s4  }
0xb3: {  	[dreg:$0x5] =	wrdreg $0x9  }
0xb4: {  	_ =	task.clear_ibuf [dreg:s9], $0x6FFFF;
	_ =	strace $0x90000046  }
0xb5: {  	s29 =	simm.s32 $0x9;
	_ =	strace $0x80000048  }
0xb6: {  	_ =	swait.ge [sflag:s29], $0x1  }
0xb7: {  	[sflag:s29] =	ssyncadd.s32 $0xFFFFFFFF  }
0xb8: {  	_ =	strace $0x90000048  }
0xb9: {  	_ =	sfence  }
0xba: {  	s30 =	sld [smem:$0x0];
	_ =	sdelay $0x2  }
0xbb: {  	s31 =	sshll.u32 s1, $0xD;
	s1 =	sshrl.u32 s1, $0x2  }
0xbc: {  	s3 =	sand.u32 $0x4000, s31;
	s1 =	sadd.s32 s1, s30  }
0xbd: {  	s0 =	sor.u32 s3, s0;
	s1 =	sshll.u32 s1, $0x11  }
0xbe: {  	s0 =	sor.u32 s1, s0  }
0xbf: {  	s0 =	sadd.s32 $0x8F2B, s0  }
0xc0: {  	[sflag:s0] =	ssyncadd.remote.s32 $0x1  }
0xc1: {  	_ =	sfence.sel $0xFFFF  }
0xc2: {  	[dreg:$0x0] =	wrdreg $0xFFFFFFFF;
	(pc) =	sbr.abs _section_cstart, $3  }
0xc3: {  	[dreg:$0x1] =	wrdreg $0xFFFFFFFF  }
0xc4: {  	_ =	task.clear_ibuf [dreg:s9], $0x2FFFF;
	_ =	strace $0x9FFFFFFF  }
0xc5: {  	(tm) =	ssettm $0x7FFFFFFF  }
tec
execute0_lowered:
.L_overlay_start_1:
0x0: {  	(tag) =	ssettag $0x1  }
0x1: {  	s0 =	rddreg [dreg:$0x0]  }
0x2: {  	s1 =	rddreg [dreg:$0x1]  }
0x3: {  	s3 =	rddreg [dreg:$0x2]  }
0x4: {  	s4 =	srdreg.scid;
	s2 =	simm.s32 $0x0;
	s7 =	stileid.u32  }
0x5: {  	s17 =	simm.s32 $0x9;
	s18 =	simm.s32 $0x1;
	s19 =	simm.s32 $0x2  }
0x6: {  	s20 =	simm.s32 $0x3;
	s21 =	simm.s32 $0x4;
	s22 =	simm.s32 $0x5  }
0x7: {  	s23 =	simm.s32 $0x6;
	s24 =	simm.s32 $0x7;
	s25 =	simm.s32 $0x8  }
0x8: {  	s26 =	simm.s32 $0x0;
	s4 =	sand.u32 $0x1, s4;
	[smem:$0x7FF] =	sst s2  }
0x9: {  	s7 =	sshll.u32 s7, $0xC;
	s5 =	ssub.s32 $0x2, s4;
	s4 =	sshll.u32 s4, $0xB  }
0xa: {  	_ =	strace $0x80000047;
	s6 =	sshrl.u32 s5, $0x1;
	s4 =	sor.u32 s4, s7  }
0xb: {  	s5 =	ssub.s32 s5, s6;
	s1 =	sadd.s32 s1, s4;
	s29 =	sadd.s32 s0, s4  }
0xc: {  	s30 =	sor.u32 $0x80000, s4;
	s10 =	sor.u32 $0x100000, s4;
	[dreg:$0x4] =	wrdreg s1  }
0xd: {  	s11 =	sor.u32 $0x180000, s4;
	s8 =	sadd.s32 s3, s4;
	[dreg:$0x5] =	wrdreg s29  }
0xe: {  	s31 =	sadd.s32 s0, s30;
	s6 =	sadd.s32 s0, s10;
	s7 =	sadd.s32 s0, s11  }
0xf: {  	s9 =	sadd.s32 s3, s30;
	s10 =	sadd.s32 s3, s10;
	s11 =	sadd.s32 s3, s11  }
0x10: {  	s12 =	smax.u32 s5, $0x1;
	s3 =	simm.s32 $0xC000;
	[dreg:$0x6] =	wrdreg s31  }
.LBB2_1:
0x11: {  	s0 =	rddreg [dreg:$0x4];
	s1 =	simm.s32 $0x10000  }
0x12: {  	[tilespmem:s1], [sflag:$0x9] =	stream.linear.gather [hbm4b:s0+s2], $0x4000, $0x38;
	[tilespmem:$0x14000] =	vst v63  }
0x13: {  	s15 =	rddreg [dreg:$0x5]  }
0x14: {  	[tilespmem:s2], [sflag:$0x1] =	stream.linear.gather [hbm4b:s15+s2], $0x4000, $0x38;
	[tilespmem:$0x14000] =	vst v63  }
0x15: {  	s16 =	rddreg [dreg:$0x6];
	s29 =	simm.s32 $0x4000  }
0x16: {  	[tilespmem:s29], [sflag:$0x2] =	stream.linear.gather [hbm4b:s16+s2], $0x4000, $0x38;
	[tilespmem:$0x14000] =	vst v63  }
0x17: {  	s31 =	simm.s32 $0x8000  }
0x18: {  	[tilespmem:s31], [sflag:$0x3] =	stream.linear.gather [hbm4b:s6+s2], $0x4000, $0x38;
	[tilespmem:$0x14000] =	vst v63  }
0x19: {  	_ = 	snop  }
0x1a: {  	[tilespmem:s3], [sflag:$0x4] =	stream.linear.gather [hbm4b:s7+s2], $0x4000, $0x38;
	[tilespmem:$0x14000] =	vst v63  }
0x1b: {  	_ =	swait.ge [sflag:s17], $0x4000  }
0x1c: {  	[sflag:s17] =	ssyncset.done $0x0  }
0x1d: {  	[sflag:s17] =	ssyncadd.s32 $0xFFFFC000  }
0x1e: {  	_ =	swait.ge [sflag:s18], $0x4000  }
0x1f: {  	s28 =	simm.s32 $0x10040;
	[sflag:s18] =	ssyncset.done $0x0  }
0x20: {  	s30 =	simm.s32 $0x0;
	s3 =	simm.s32 $0x40;
	[sflag:s18] =	ssyncadd.s32 $0xFFFFC000  }
.LBB2_2:
0x21: {  	v0 =	vld [tilespmem:s3+$0xFFFFFFC0]  }
0x22: {  	v1 =	vld [tilespmem:s28+$0xFFFFFFC0];
	_ =	sdelay $0x4  }
0x23: {  	v0 =	vadd.f32 v1, v0;
	_ =	sdelay $0x1  }
0x24: {  	[tilespmem:s3+$0xFFFFFFC0] =	vst v0;
	v0 =	vld [tilespmem:s3+$0xFFFFFFD0]  }
0x25: {  	v1 =	vld [tilespmem:s28+$0xFFFFFFD0];
	_ =	sdelay $0x3  }
0x26: {  	s1 =	sadd.s32 $0x400, s28  }
0x27: {  	s31 =	sadd.s32 $0x400, s3;
	v3 =	vld [tilespmem:s1+$0xFFFFFFC0];
	v0 =	vadd.f32 v1, v0  }
0x28: {  	v1 =	vld [tilespmem:s31+$0xFFFFFFC0]  }
0x29: {  	v2 =	vld [tilespmem:s3+$0xFFFFFFE0];
	[tilespmem:s3+$0xFFFFFFD0] =	vst v0  }
0x2a: {  	v0 =	vld [tilespmem:s28+$0xFFFFFFE0];
	_ =	sdelay $0x2  }
0x2b: {  	v1 =	vadd.f32 v3, v1;
	_ =	sdelay $0x1  }
0x2c: {  	[tilespmem:s31+$0xFFFFFFC0] =	vst v1;
	v1 =	vld [tilespmem:s31+$0xFFFFFFD0];
	v0 =	vadd.f32 v0, v2  }
0x2d: {  	v2 =	vld [tilespmem:s3+$0xFFFFFFF0]  }
0x2e: {  	v3 =	vld [tilespmem:s1+$0xFFFFFFD0];
	[tilespmem:s3+$0xFFFFFFE0] =	vst v0  }
0x2f: {  	v0 =	vld [tilespmem:s28+$0xFFFFFFF0];
	_ =	sdelay $0x2  }
0x30: {  	v5 =	vld [tilespmem:s3+$0x0]  }
0x31: {  	v4 =	vld [tilespmem:s31+$0xFFFFFFE0];
	s0 =	sadd.s32 $0x400, s31;
	v1 =	vadd.f32 v3, v1  }
0x32: {  	s13 =	sadd.s32 $0x400, s1;
	v3 =	vld [tilespmem:s0+$0xFFFFFFC0];
	v0 =	vadd.f32 v0, v2  }
0x33: {  	[tilespmem:s31+$0xFFFFFFD0] =	vst v1;
	v2 =	vld [tilespmem:s13+$0xFFFFFFC0]  }
0x34: {  	[tilespmem:s3+$0xFFFFFFF0] =	vst v0;
	v0 =	vld [tilespmem:s1+$0xFFFFFFE0]  }
0x35: {  	v1 =	vld [tilespmem:s28+$0x0];
	_ =	sdelay $0x2  }
0x36: {  	v2 =	vadd.f32 v2, v3;
	v3 =	vld [tilespmem:s3+$0x10]  }
0x37: {  	v0 =	vadd.f32 v0, v4;
	v4 =	vld [tilespmem:s31+$0xFFFFFFF0]  }
0x38: {  	[tilespmem:s0+$0xFFFFFFC0] =	vst v2;
	v2 =	vld [tilespmem:s0+$0xFFFFFFD0];
	v1 =	vadd.f32 v1, v5  }
0x39: {  	v5 =	vld [tilespmem:s13+$0xFFFFFFD0];
	[tilespmem:s31+$0xFFFFFFE0] =	vst v0  }
0x3a: {  	v0 =	vld [tilespmem:s1+$0xFFFFFFF0];
	[tilespmem:s3+$0x0] =	vst v1  }
0x3b: {  	v1 =	vld [tilespmem:s28+$0x10]  }
0x3c: {  	v6 =	vld [tilespmem:s3+$0x20]  }
0x3d: {  	v8 =	vld [tilespmem:s31+$0x0]  }
0x3e: {  	v7 =	vld [tilespmem:s0+$0xFFFFFFE0];
	s14 =	sadd.s32 $0x400, s0;
	v2 =	vadd.f32 v5, v2  }
0x3f: {  	s15 =	sadd.s32 $0x400, s13;
	v5 =	vld [tilespmem:s14+$0xFFFFFFC0];
	v0 =	vadd.f32 v0, v4  }
0x40: {  	v4 =	vld [tilespmem:s15+$0xFFFFFFC0];
	[tilespmem:s0+$0xFFFFFFD0] =	vst v2;
	v1 =	vadd.f32 v1, v3  }
0x41: {  	v3 =	vld [tilespmem:s13+$0xFFFFFFE0];
	[tilespmem:s31+$0xFFFFFFF0] =	vst v0  }
0x42: {  	[tilespmem:s3+$0x10] =	vst v1;
	v1 =	vld [tilespmem:s1+$0x0]  }
0x43: {  	v9 =	vld [tilespmem:s28+$0x20]  }
0x44: {  	v10 =	vld [tilespmem:s14+$0xFFFFFFD0]  }
0x45: {  	v2 =	vld [tilespmem:s31+$0x10];
	v4 =	vadd.f32 v4, v5  }
0x46: {  	v0 =	vld [tilespmem:s3+$0x30];
	v3 =	vadd.f32 v3, v7  }
0x47: {  	v7 =	vld [tilespmem:s0+$0xFFFFFFF0];
	[tilespmem:s14+$0xFFFFFFC0] =	vst v4;
	v1 =	vadd.f32 v1, v8  }
0x48: {  	v8 =	vld [tilespmem:s15+$0xFFFFFFD0];
	[tilespmem:s0+$0xFFFFFFE0] =	vst v3;
	v3 =	vadd.f32 v9, v6  }
0x49: {  	v9 =	vld [tilespmem:s13+$0xFFFFFFF0];
	[tilespmem:s31+$0x0] =	vst v1  }
0x4a: {  	v5 =	vld [tilespmem:s1+$0x10];
	[tilespmem:s3+$0x20] =	vst v3  }
0x4b: {  	v3 =	vld [tilespmem:s28+$0x30]  }
0x4c: {  	v4 =	vld [tilespmem:s0+$0x0]  }
0x4d: {  	s16 =	simm.s32 $0x180;
	v6 =	vld [tilespmem:s14+$0xFFFFFFE0];
	v8 =	vadd.f32 v8, v10  }
0x4e: {  	s29 =	smov.u32 s3;
	s5 =	sadd.s32 $0x400, s14;
	s4 =	smov.u32 s15;
	v1 =	vld [tilespmem:s31+$0x20];
	v7 =	vadd.f32 v9, v7  }
.LBB2_3:
0x4f: {  	v9 =	vld [tilespmem:s5+$0xFFFFFFC0];
	[tilespmem:s14+$0xFFFFFFD0] =	vst v8;
	s15 =	sadd.s32 $0x400, s15;
	v2 =	vadd.f32 v5, v2  }
0x50: {  	v5 =	vld [tilespmem:s15+$0xFFFFFFC0];
	[tilespmem:s0+$0xFFFFFFF0] =	vst v7;
	v0 =	vadd.f32 v3, v0  }
0x51: {  	v3 =	vld [tilespmem:s4+$0xFFFFFFE0];
	[tilespmem:s31+$0x10] =	vst v2  }
0x52: {  	v7 =	vld [tilespmem:s13+$0x0];
	[tilespmem:s29+$0x30] =	vst v0;
	s29 =	smov.u32 s31;
	s31 =	smov.u32 s0;
	s0 =	smov.u32 s14  }
0x53: {  	s16 =	sadd.s32 $0x80, s16;
	s14 =	smov.u32 s5;
	v8 =	vld [tilespmem:s1+$0x20]  }
0x54: {  	p0 =	slt.u32 s16, $0x780;
	v0 =	vld [tilespmem:s29+$0x30]  }
0x55: {  	v5 =	vadd.f32 v5, v9;
	v2 =	vld [tilespmem:s31+$0x10]  }
0x56: {  	v3 =	vadd.f32 v3, v6;
	v9 =	vld [tilespmem:s0+$0xFFFFFFF0]  }
0x57: {  	[tilespmem:s5+$0xFFFFFFC0] =	vst v5;
	v6 =	vld [tilespmem:s5+$0xFFFFFFD0];
	v4 =	vadd.f32 v7, v4  }
0x58: {  	v7 =	vld [tilespmem:s15+$0xFFFFFFD0];
	[tilespmem:s0+$0xFFFFFFE0] =	vst v3;
	v1 =	vadd.f32 v8, v1  }
0x59: {  	v10 =	vld [tilespmem:s4+$0xFFFFFFF0];
	[tilespmem:s31+$0x0] =	vst v4  }
.Ltmp0:
0x5a: {  	v5 =	vld [tilespmem:s13+$0x10];
	[tilespmem:s29+$0x20] =	vst v1;
	(pc) =	sbr.rel @p0 .LBB2_3-.Ltmp0, $4  }
0x5b: {  	v3 =	vld [tilespmem:s1+$0x30];
	s1 =	smov.u32 s13;
	s13 =	smov.u32 s4;
	s4 =	smov.u32 s15  }
0x5c: {  	v1 =	vld [tilespmem:s31+$0x20]  }
0x5d: {  	v8 =	vadd.f32 v7, v6;
	v4 =	vld [tilespmem:s0+$0x0]  }
0x5e: {  	s5 =	sadd.s32 $0x400, s5;
	v6 =	vld [tilespmem:s14+$0xFFFFFFE0];
	v7 =	vadd.f32 v10, v9  }
0x5f: {  	[tilespmem:s14+$0xFFFFFFD0] =	vst v8  }
0x60: {  	v8 =	vld [tilespmem:s4+$0xFFFFFFE0];
	_ =	sdelay $0x4  }
0x61: {  	v6 =	vadd.f32 v8, v6;
	_ =	sdelay $0x1  }
0x62: {  	v49 =	vld [tilespmem:s14+$0xFFFFFFF0];
	[tilespmem:s14+$0xFFFFFFE0] =	vst v6  }
0x63: {  	v6 =	vld [tilespmem:s4+$0xFFFFFFF0];
	_ =	sdelay $0x4  }
0x64: {  	v6 =	vadd.f32 v6, v49  }
0x65: {  	v50 =	vld [tilespmem:s14+$0x0];
	[tilespmem:s0+$0xFFFFFFF0] =	vst v7  }
0x66: {  	v51 =	vld [tilespmem:s13+$0x0];
	[tilespmem:s14+$0xFFFFFFF0] =	vst v6  }
0x67: {  	v6 =	vld [tilespmem:s4+$0x0];
	_ =	sdelay $0x3  }
0x68: {  	v4 =	vadd.f32 v51, v4  }
0x69: {  	v52 =	vld [tilespmem:s0+$0x10];
	v6 =	vadd.f32 v6, v50  }
0x6a: {  	v53 =	vld [tilespmem:s14+$0x10];
	[tilespmem:s0+$0x0] =	vst v4  }
0x6b: {  	v54 =	vld [tilespmem:s13+$0x10];
	[tilespmem:s14+$0x0] =	vst v6  }
0x6c: {  	v6 =	vld [tilespmem:s4+$0x10];
	_ =	sdelay $0x2  }
0x6d: {  	v2 =	vadd.f32 v5, v2  }
0x6e: {  	v56 =	vld [tilespmem:s0+$0x20];
	v55 =	vadd.f32 v54, v52  }
0x6f: {  	v57 =	vld [tilespmem:s14+$0x20];
	[tilespmem:s31+$0x10] =	vst v2;
	v4 =	vadd.f32 v6, v53  }
0x70: {  	v2 =	vld [tilespmem:s1+$0x20];
	[tilespmem:s0+$0x10] =	vst v55  }
0x71: {  	v58 =	vld [tilespmem:s13+$0x20];
	[tilespmem:s14+$0x10] =	vst v4  }
0x72: {  	v4 =	vld [tilespmem:s4+$0x20];
	_ =	sdelay $0x2  }
0x73: {  	v59 =	vld [tilespmem:s31+$0x30];
	v1 =	vadd.f32 v2, v1  }
0x74: {  	v60 =	vld [tilespmem:s0+$0x30];
	v6 =	vadd.f32 v58, v56  }
0x75: {  	v61 =	vld [tilespmem:s14+$0x30];
	[tilespmem:s31+$0x20] =	vst v1;
	v4 =	vadd.f32 v4, v57  }
0x76: {  	v1 =	vld [tilespmem:s1+$0x30];
	[tilespmem:s0+$0x20] =	vst v6  }
0x77: {  	v6 =	vld [tilespmem:s13+$0x30];
	[tilespmem:s14+$0x20] =	vst v4  }
0x78: {  	v4 =	vld [tilespmem:s4+$0x30]  }
0x79: {  	s30 =	sadd.s32 $0x1, s30  }
0x7a: {  	v0 =	vadd.f32 v3, v0;
	p0 =	sne.s32 s30, $0x8  }
.Ltmp1:
0x7b: {  	v1 =	vadd.f32 v1, v59;
	(pc) =	sbr.rel @p0 .LBB2_2-.Ltmp1, $4  }
0x7c: {  	[tilespmem:s29+$0x30] =	vst v0;
	v62 =	vadd.f32 v6, v60  }
0x7d: {  	[tilespmem:s31+$0x30] =	vst v1;
	v63 =	vadd.f32 v4, v61  }
0x7e: {  	[tilespmem:s0+$0x30] =	vst v62  }
0x7f: {  	s28 =	sadd.s32 $0x80, s28;
	s3 =	sadd.s32 $0x80, s3;
	[tilespmem:s14+$0x30] =	vst v63  }
0x80: {  	s28 =	simm.s32 $0x0  }
0x81: {  	[hbm4b:s8+s28] =	stream.linear.scatter [tilespmem:s28], [sflag:$0x5], $0x4000, $0x38;
	[tilespmem:$0x14000] =	vst v63  }
0x82: {  	_ =	swait.ge [sflag:s19], $0x4000  }
0x83: {  	[sflag:s19] =	ssyncset.done $0x0  }
0x84: {  	s29 =	simm.s32 $0x10040;
	s30 =	simm.s32 $0x4040;
	[sflag:s19] =	ssyncadd.s32 $0xFFFFC000  }
.LBB2_6:
0x85: {  	v0 =	vld [tilespmem:s30+$0xFFFFFFC0]  }
0x86: {  	v1 =	vld [tilespmem:s29+$0xFFFFFFC0];
	_ =	sdelay $0x4  }
0x87: {  	v0 =	vadd.f32 v1, v0;
	_ =	sdelay $0x1  }
0x88: {  	[tilespmem:s30+$0xFFFFFFC0] =	vst v0;
	v0 =	vld [tilespmem:s30+$0xFFFFFFD0]  }
0x89: {  	v1 =	vld [tilespmem:s29+$0xFFFFFFD0];
	_ =	sdelay $0x3  }
0x8a: {  	s1 =	sadd.s32 $0x400, s29  }
0x8b: {  	s31 =	sadd.s32 $0x400, s30;
	v3 =	vld [tilespmem:s1+$0xFFFFFFC0];
	v0 =	vadd.f32 v1, v0  }
0x8c: {  	v1 =	vld [tilespmem:s31+$0xFFFFFFC0]  }
0x8d: {  	v2 =	vld [tilespmem:s30+$0xFFFFFFE0];
	[tilespmem:s30+$0xFFFFFFD0] =	vst v0  }
0x8e: {  	v0 =	vld [tilespmem:s29+$0xFFFFFFE0];
	_ =	sdelay $0x2  }
0x8f: {  	v1 =	vadd.f32 v3, v1;
	_ =	sdelay $0x1  }
0x90: {  	[tilespmem:s31+$0xFFFFFFC0] =	vst v1;
	v1 =	vld [tilespmem:s31+$0xFFFFFFD0];
	v0 =	vadd.f32 v0, v2  }
0x91: {  	v2 =	vld [tilespmem:s30+$0xFFFFFFF0]  }
0x92: {  	v3 =	vld [tilespmem:s1+$0xFFFFFFD0];
	[tilespmem:s30+$0xFFFFFFE0] =	vst v0  }
0x93: {  	v0 =	vld [tilespmem:s29+$0xFFFFFFF0];
	_ =	sdelay $0x2  }
0x94: {  	v5 =	vld [tilespmem:s30+$0x0]  }
0x95: {  	v4 =	vld [tilespmem:s31+$0xFFFFFFE0];
	s0 =	sadd.s32 $0x400, s31;
	v1 =	vadd.f32 v3, v1  }
0x96: {  	s13 =	sadd.s32 $0x400, s1;
	v3 =	vld [tilespmem:s0+$0xFFFFFFC0];
	v0 =	vadd.f32 v0, v2  }
0x97: {  	[tilespmem:s31+$0xFFFFFFD0] =	vst v1;
	v2 =	vld [tilespmem:s13+$0xFFFFFFC0]  }
0x98: {  	[tilespmem:s30+$0xFFFFFFF0] =	vst v0;
	v0 =	vld [tilespmem:s1+$0xFFFFFFE0]  }
0x99: {  	v1 =	vld [tilespmem:s29+$0x0];
	_ =	sdelay $0x2  }
0x9a: {  	v2 =	vadd.f32 v2, v3;
	v3 =	vld [tilespmem:s30+$0x10]  }
0x9b: {  	v0 =	vadd.f32 v0, v4;
	v4 =	vld [tilespmem:s31+$0xFFFFFFF0]  }
0x9c: {  	[tilespmem:s0+$0xFFFFFFC0] =	vst v2;
	v2 =	vld [tilespmem:s0+$0xFFFFFFD0];
	v1 =	vadd.f32 v1, v5  }
0x9d: {  	v5 =	vld [tilespmem:s13+$0xFFFFFFD0];
	[tilespmem:s31+$0xFFFFFFE0] =	vst v0  }
0x9e: {  	v0 =	vld [tilespmem:s1+$0xFFFFFFF0];
	[tilespmem:s30+$0x0] =	vst v1  }
0x9f: {  	v1 =	vld [tilespmem:s29+$0x10]  }
0xa0: {  	v6 =	vld [tilespmem:s30+$0x20]  }
0xa1: {  	v8 =	vld [tilespmem:s31+$0x0]  }
0xa2: {  	v7 =	vld [tilespmem:s0+$0xFFFFFFE0];
	s14 =	sadd.s32 $0x400, s0;
	v2 =	vadd.f32 v5, v2  }
0xa3: {  	s4 =	sadd.s32 $0x400, s13;
	v5 =	vld [tilespmem:s14+$0xFFFFFFC0];
	v0 =	vadd.f32 v0, v4  }
0xa4: {  	v4 =	vld [tilespmem:s4+$0xFFFFFFC0];
	[tilespmem:s0+$0xFFFFFFD0] =	vst v2;
	v1 =	vadd.f32 v1, v3  }
0xa5: {  	v3 =	vld [tilespmem:s13+$0xFFFFFFE0];
	[tilespmem:s31+$0xFFFFFFF0] =	vst v0  }
0xa6: {  	[tilespmem:s30+$0x10] =	vst v1;
	v1 =	vld [tilespmem:s1+$0x0]  }
0xa7: {  	v9 =	vld [tilespmem:s29+$0x20]  }
0xa8: {  	v10 =	vld [tilespmem:s14+$0xFFFFFFD0]  }
0xa9: {  	v2 =	vld [tilespmem:s31+$0x10];
	v4 =	vadd.f32 v4, v5  }
0xaa: {  	v0 =	vld [tilespmem:s30+$0x30];
	v3 =	vadd.f32 v3, v7  }
0xab: {  	v7 =	vld [tilespmem:s0+$0xFFFFFFF0];
	[tilespmem:s14+$0xFFFFFFC0] =	vst v4;
	v1 =	vadd.f32 v1, v8  }
0xac: {  	v8 =	vld [tilespmem:s4+$0xFFFFFFD0];
	[tilespmem:s0+$0xFFFFFFE0] =	vst v3;
	v3 =	vadd.f32 v9, v6  }
0xad: {  	v9 =	vld [tilespmem:s13+$0xFFFFFFF0];
	[tilespmem:s31+$0x0] =	vst v1  }
0xae: {  	v5 =	vld [tilespmem:s1+$0x10];
	[tilespmem:s30+$0x20] =	vst v3  }
0xaf: {  	v3 =	vld [tilespmem:s29+$0x30]  }
0xb0: {  	v4 =	vld [tilespmem:s0+$0x0]  }
0xb1: {  	s16 =	simm.s32 $0x180;
	v6 =	vld [tilespmem:s14+$0xFFFFFFE0];
	v8 =	vadd.f32 v8, v10  }
0xb2: {  	s3 =	smov.u32 s30;
	s5 =	sadd.s32 $0x400, s14;
	s15 =	smov.u32 s4;
	v1 =	vld [tilespmem:s31+$0x20];
	v7 =	vadd.f32 v9, v7  }
.LBB2_7:
0xb3: {  	v9 =	vld [tilespmem:s5+$0xFFFFFFC0];
	[tilespmem:s14+$0xFFFFFFD0] =	vst v8;
	s4 =	sadd.s32 $0x400, s4;
	v2 =	vadd.f32 v5, v2  }
0xb4: {  	v5 =	vld [tilespmem:s4+$0xFFFFFFC0];
	[tilespmem:s0+$0xFFFFFFF0] =	vst v7;
	v0 =	vadd.f32 v3, v0  }
0xb5: {  	v3 =	vld [tilespmem:s15+$0xFFFFFFE0];
	[tilespmem:s31+$0x10] =	vst v2  }
0xb6: {  	v7 =	vld [tilespmem:s13+$0x0];
	[tilespmem:s3+$0x30] =	vst v0;
	s3 =	smov.u32 s31;
	s31 =	smov.u32 s0;
	s0 =	smov.u32 s14  }
0xb7: {  	s16 =	sadd.s32 $0x80, s16;
	s14 =	smov.u32 s5;
	v8 =	vld [tilespmem:s1+$0x20]  }
0xb8: {  	p0 =	slt.u32 s16, $0x780;
	v0 =	vld [tilespmem:s3+$0x30]  }
0xb9: {  	v5 =	vadd.f32 v5, v9;
	v2 =	vld [tilespmem:s31+$0x10]  }
0xba: {  	v3 =	vadd.f32 v3, v6;
	v9 =	vld [tilespmem:s0+$0xFFFFFFF0]  }
0xbb: {  	[tilespmem:s5+$0xFFFFFFC0] =	vst v5;
	v6 =	vld [tilespmem:s5+$0xFFFFFFD0];
	v4 =	vadd.f32 v7, v4  }
0xbc: {  	v7 =	vld [tilespmem:s4+$0xFFFFFFD0];
	[tilespmem:s0+$0xFFFFFFE0] =	vst v3;
	v1 =	vadd.f32 v8, v1  }
0xbd: {  	v10 =	vld [tilespmem:s15+$0xFFFFFFF0];
	[tilespmem:s31+$0x0] =	vst v4  }
.Ltmp2:
0xbe: {  	v5 =	vld [tilespmem:s13+$0x10];
	[tilespmem:s3+$0x20] =	vst v1;
	(pc) =	sbr.rel @p0 .LBB2_7-.Ltmp2, $4  }
0xbf: {  	v3 =	vld [tilespmem:s1+$0x30];
	s1 =	smov.u32 s13;
	s13 =	smov.u32 s15;
	s15 =	smov.u32 s4  }
0xc0: {  	v1 =	vld [tilespmem:s31+$0x20]  }
0xc1: {  	v8 =	vadd.f32 v7, v6;
	v4 =	vld [tilespmem:s0+$0x0]  }
0xc2: {  	s5 =	sadd.s32 $0x400, s5;
	v6 =	vld [tilespmem:s14+$0xFFFFFFE0];
	v7 =	vadd.f32 v10, v9  }
0xc3: {  	[tilespmem:s14+$0xFFFFFFD0] =	vst v8  }
0xc4: {  	v8 =	vld [tilespmem:s15+$0xFFFFFFE0];
	_ =	sdelay $0x4  }
0xc5: {  	v6 =	vadd.f32 v8, v6;
	_ =	sdelay $0x1  }
0xc6: {  	v49 =	vld [tilespmem:s14+$0xFFFFFFF0];
	[tilespmem:s14+$0xFFFFFFE0] =	vst v6  }
0xc7: {  	v6 =	vld [tilespmem:s15+$0xFFFFFFF0];
	_ =	sdelay $0x4  }
0xc8: {  	v6 =	vadd.f32 v6, v49  }
0xc9: {  	v50 =	vld [tilespmem:s14+$0x0];
	[tilespmem:s0+$0xFFFFFFF0] =	vst v7  }
0xca: {  	v51 =	vld [tilespmem:s13+$0x0];
	[tilespmem:s14+$0xFFFFFFF0] =	vst v6  }
0xcb: {  	v6 =	vld [tilespmem:s15+$0x0];
	_ =	sdelay $0x3  }
0xcc: {  	v4 =	vadd.f32 v51, v4  }
0xcd: {  	v52 =	vld [tilespmem:s0+$0x10];
	v6 =	vadd.f32 v6, v50  }
0xce: {  	v53 =	vld [tilespmem:s14+$0x10];
	[tilespmem:s0+$0x0] =	vst v4  }
0xcf: {  	v54 =	vld [tilespmem:s13+$0x10];
	[tilespmem:s14+$0x0] =	vst v6  }
0xd0: {  	v6 =	vld [tilespmem:s15+$0x10];
	_ =	sdelay $0x2  }
0xd1: {  	v2 =	vadd.f32 v5, v2  }
0xd2: {  	v56 =	vld [tilespmem:s0+$0x20];
	v55 =	vadd.f32 v54, v52  }
0xd3: {  	v57 =	vld [tilespmem:s14+$0x20];
	[tilespmem:s31+$0x10] =	vst v2;
	v4 =	vadd.f32 v6, v53  }
0xd4: {  	v2 =	vld [tilespmem:s1+$0x20];
	[tilespmem:s0+$0x10] =	vst v55  }
0xd5: {  	v58 =	vld [tilespmem:s13+$0x20];
	[tilespmem:s14+$0x10] =	vst v4  }
0xd6: {  	v4 =	vld [tilespmem:s15+$0x20];
	_ =	sdelay $0x2  }
0xd7: {  	v59 =	vld [tilespmem:s31+$0x30];
	v1 =	vadd.f32 v2, v1  }
0xd8: {  	v60 =	vld [tilespmem:s0+$0x30];
	v6 =	vadd.f32 v58, v56  }
0xd9: {  	v61 =	vld [tilespmem:s14+$0x30];
	[tilespmem:s31+$0x20] =	vst v1;
	v4 =	vadd.f32 v4, v57  }
0xda: {  	v1 =	vld [tilespmem:s1+$0x30];
	[tilespmem:s0+$0x20] =	vst v6  }
0xdb: {  	v6 =	vld [tilespmem:s13+$0x30];
	[tilespmem:s14+$0x20] =	vst v4  }
0xdc: {  	v4 =	vld [tilespmem:s15+$0x30]  }
0xdd: {  	s28 =	sadd.s32 $0x1, s28  }
0xde: {  	v0 =	vadd.f32 v3, v0;
	p0 =	sne.s32 s28, $0x8  }
.Ltmp3:
0xdf: {  	v1 =	vadd.f32 v1, v59;
	(pc) =	sbr.rel @p0 .LBB2_6-.Ltmp3, $4  }
0xe0: {  	[tilespmem:s3+$0x30] =	vst v0;
	v62 =	vadd.f32 v6, v60  }
0xe1: {  	[tilespmem:s31+$0x30] =	vst v1;
	v63 =	vadd.f32 v4, v61  }
0xe2: {  	[tilespmem:s0+$0x30] =	vst v62  }
0xe3: {  	s29 =	sadd.s32 $0x80, s29;
	s30 =	sadd.s32 $0x80, s30;
	[tilespmem:s14+$0x30] =	vst v63  }
0xe4: {  	s28 =	simm.s32 $0x0;
	s0 =	simm.s32 $0x4000  }
0xe5: {  	[hbm4b:s9+s28] =	stream.linear.scatter [tilespmem:s0], [sflag:$0x6], $0x4000, $0x38;
	[tilespmem:$0x14000] =	vst v63  }
0xe6: {  	_ =	swait.ge [sflag:s20], $0x4000  }
0xe7: {  	[sflag:s20] =	ssyncset.done $0x0  }
0xe8: {  	s29 =	simm.s32 $0x10040;
	s30 =	simm.s32 $0x8040;
	[sflag:s20] =	ssyncadd.s32 $0xFFFFC000  }
.LBB2_10:
0xe9: {  	v0 =	vld [tilespmem:s30+$0xFFFFFFC0]  }
0xea: {  	v1 =	vld [tilespmem:s29+$0xFFFFFFC0];
	_ =	sdelay $0x4  }
0xeb: {  	v0 =	vadd.f32 v1, v0;
	_ =	sdelay $0x1  }
0xec: {  	[tilespmem:s30+$0xFFFFFFC0] =	vst v0;
	v0 =	vld [tilespmem:s30+$0xFFFFFFD0]  }
0xed: {  	v1 =	vld [tilespmem:s29+$0xFFFFFFD0];
	_ =	sdelay $0x3  }
0xee: {  	s1 =	sadd.s32 $0x400, s29  }
0xef: {  	s31 =	sadd.s32 $0x400, s30;
	v3 =	vld [tilespmem:s1+$0xFFFFFFC0];
	v0 =	vadd.f32 v1, v0  }
0xf0: {  	v1 =	vld [tilespmem:s31+$0xFFFFFFC0]  }
0xf1: {  	v2 =	vld [tilespmem:s30+$0xFFFFFFE0];
	[tilespmem:s30+$0xFFFFFFD0] =	vst v0  }
0xf2: {  	v0 =	vld [tilespmem:s29+$0xFFFFFFE0];
	_ =	sdelay $0x2  }
0xf3: {  	v1 =	vadd.f32 v3, v1;
	_ =	sdelay $0x1  }
0xf4: {  	[tilespmem:s31+$0xFFFFFFC0] =	vst v1;
	v1 =	vld [tilespmem:s31+$0xFFFFFFD0];
	v0 =	vadd.f32 v0, v2  }
0xf5: {  	v2 =	vld [tilespmem:s30+$0xFFFFFFF0]  }
0xf6: {  	v3 =	vld [tilespmem:s1+$0xFFFFFFD0];
	[tilespmem:s30+$0xFFFFFFE0] =	vst v0  }
0xf7: {  	v0 =	vld [tilespmem:s29+$0xFFFFFFF0];
	_ =	sdelay $0x2  }
0xf8: {  	v5 =	vld [tilespmem:s30+$0x0]  }
0xf9: {  	v4 =	vld [tilespmem:s31+$0xFFFFFFE0];
	s0 =	sadd.s32 $0x400, s31;
	v1 =	vadd.f32 v3, v1  }
0xfa: {  	s13 =	sadd.s32 $0x400, s1;
	v3 =	vld [tilespmem:s0+$0xFFFFFFC0];
	v0 =	vadd.f32 v0, v2  }
0xfb: {  	[tilespmem:s31+$0xFFFFFFD0] =	vst v1;
	v2 =	vld [tilespmem:s13+$0xFFFFFFC0]  }
0xfc: {  	[tilespmem:s30+$0xFFFFFFF0] =	vst v0;
	v0 =	vld [tilespmem:s1+$0xFFFFFFE0]  }
0xfd: {  	v1 =	vld [tilespmem:s29+$0x0];
	_ =	sdelay $0x2  }
0xfe: {  	v2 =	vadd.f32 v2, v3;
	v3 =	vld [tilespmem:s30+$0x10]  }
0xff: {  	v0 =	vadd.f32 v0, v4;
	v4 =	vld [tilespmem:s31+$0xFFFFFFF0]  }
0x100: {  	[tilespmem:s0+$0xFFFFFFC0] =	vst v2;
	v2 =	vld [tilespmem:s0+$0xFFFFFFD0];
	v1 =	vadd.f32 v1, v5  }
0x101: {  	v5 =	vld [tilespmem:s13+$0xFFFFFFD0];
	[tilespmem:s31+$0xFFFFFFE0] =	vst v0  }
0x102: {  	v0 =	vld [tilespmem:s1+$0xFFFFFFF0];
	[tilespmem:s30+$0x0] =	vst v1  }
0x103: {  	v1 =	vld [tilespmem:s29+$0x10]  }
0x104: {  	v6 =	vld [tilespmem:s30+$0x20]  }
0x105: {  	v8 =	vld [tilespmem:s31+$0x0]  }
0x106: {  	v7 =	vld [tilespmem:s0+$0xFFFFFFE0];
	s14 =	sadd.s32 $0x400, s0;
	v2 =	vadd.f32 v5, v2  }
0x107: {  	s4 =	sadd.s32 $0x400, s13;
	v5 =	vld [tilespmem:s14+$0xFFFFFFC0];
	v0 =	vadd.f32 v0, v4  }
0x108: {  	v4 =	vld [tilespmem:s4+$0xFFFFFFC0];
	[tilespmem:s0+$0xFFFFFFD0] =	vst v2;
	v1 =	vadd.f32 v1, v3  }
0x109: {  	v3 =	vld [tilespmem:s13+$0xFFFFFFE0];
	[tilespmem:s31+$0xFFFFFFF0] =	vst v0  }
0x10a: {  	[tilespmem:s30+$0x10] =	vst v1;
	v1 =	vld [tilespmem:s1+$0x0]  }
0x10b: {  	v9 =	vld [tilespmem:s29+$0x20]  }
0x10c: {  	v10 =	vld [tilespmem:s14+$0xFFFFFFD0]  }
0x10d: {  	v2 =	vld [tilespmem:s31+$0x10];
	v4 =	vadd.f32 v4, v5  }
0x10e: {  	v0 =	vld [tilespmem:s30+$0x30];
	v3 =	vadd.f32 v3, v7  }
0x10f: {  	v7 =	vld [tilespmem:s0+$0xFFFFFFF0];
	[tilespmem:s14+$0xFFFFFFC0] =	vst v4;
	v1 =	vadd.f32 v1, v8  }
0x110: {  	v8 =	vld [tilespmem:s4+$0xFFFFFFD0];
	[tilespmem:s0+$0xFFFFFFE0] =	vst v3;
	v3 =	vadd.f32 v9, v6  }
0x111: {  	v9 =	vld [tilespmem:s13+$0xFFFFFFF0];
	[tilespmem:s31+$0x0] =	vst v1  }
0x112: {  	v5 =	vld [tilespmem:s1+$0x10];
	[tilespmem:s30+$0x20] =	vst v3  }
0x113: {  	v3 =	vld [tilespmem:s29+$0x30]  }
0x114: {  	v4 =	vld [tilespmem:s0+$0x0]  }
0x115: {  	s16 =	simm.s32 $0x180;
	v6 =	vld [tilespmem:s14+$0xFFFFFFE0];
	v8 =	vadd.f32 v8, v10  }
0x116: {  	s3 =	smov.u32 s30;
	s5 =	sadd.s32 $0x400, s14;
	s15 =	smov.u32 s4;
	v1 =	vld [tilespmem:s31+$0x20];
	v7 =	vadd.f32 v9, v7  }
.LBB2_11:
0x117: {  	v9 =	vld [tilespmem:s5+$0xFFFFFFC0];
	[tilespmem:s14+$0xFFFFFFD0] =	vst v8;
	s4 =	sadd.s32 $0x400, s4;
	v2 =	vadd.f32 v5, v2  }
0x118: {  	v5 =	vld [tilespmem:s4+$0xFFFFFFC0];
	[tilespmem:s0+$0xFFFFFFF0] =	vst v7;
	v0 =	vadd.f32 v3, v0  }
0x119: {  	v3 =	vld [tilespmem:s15+$0xFFFFFFE0];
	[tilespmem:s31+$0x10] =	vst v2  }
0x11a: {  	v7 =	vld [tilespmem:s13+$0x0];
	[tilespmem:s3+$0x30] =	vst v0;
	s3 =	smov.u32 s31;
	s31 =	smov.u32 s0;
	s0 =	smov.u32 s14  }
0x11b: {  	s16 =	sadd.s32 $0x80, s16;
	s14 =	smov.u32 s5;
	v8 =	vld [tilespmem:s1+$0x20]  }
0x11c: {  	p0 =	slt.u32 s16, $0x780;
	v0 =	vld [tilespmem:s3+$0x30]  }
0x11d: {  	v5 =	vadd.f32 v5, v9;
	v2 =	vld [tilespmem:s31+$0x10]  }
0x11e: {  	v3 =	vadd.f32 v3, v6;
	v9 =	vld [tilespmem:s0+$0xFFFFFFF0]  }
0x11f: {  	[tilespmem:s5+$0xFFFFFFC0] =	vst v5;
	v6 =	vld [tilespmem:s5+$0xFFFFFFD0];
	v4 =	vadd.f32 v7, v4  }
0x120: {  	v7 =	vld [tilespmem:s4+$0xFFFFFFD0];
	[tilespmem:s0+$0xFFFFFFE0] =	vst v3;
	v1 =	vadd.f32 v8, v1  }
0x121: {  	v10 =	vld [tilespmem:s15+$0xFFFFFFF0];
	[tilespmem:s31+$0x0] =	vst v4  }
.Ltmp4:
0x122: {  	v5 =	vld [tilespmem:s13+$0x10];
	[tilespmem:s3+$0x20] =	vst v1;
	(pc) =	sbr.rel @p0 .LBB2_11-.Ltmp4, $4  }
0x123: {  	v3 =	vld [tilespmem:s1+$0x30];
	s1 =	smov.u32 s13;
	s13 =	smov.u32 s15;
	s15 =	smov.u32 s4  }
0x124: {  	v1 =	vld [tilespmem:s31+$0x20]  }
0x125: {  	v8 =	vadd.f32 v7, v6;
	v4 =	vld [tilespmem:s0+$0x0]  }
0x126: {  	s5 =	sadd.s32 $0x400, s5;
	v6 =	vld [tilespmem:s14+$0xFFFFFFE0];
	v7 =	vadd.f32 v10, v9  }
0x127: {  	[tilespmem:s14+$0xFFFFFFD0] =	vst v8  }
0x128: {  	v8 =	vld [tilespmem:s15+$0xFFFFFFE0];
	_ =	sdelay $0x4  }
0x129: {  	v6 =	vadd.f32 v8, v6;
	_ =	sdelay $0x1  }
0x12a: {  	v49 =	vld [tilespmem:s14+$0xFFFFFFF0];
	[tilespmem:s14+$0xFFFFFFE0] =	vst v6  }
0x12b: {  	v6 =	vld [tilespmem:s15+$0xFFFFFFF0];
	_ =	sdelay $0x4  }
0x12c: {  	v6 =	vadd.f32 v6, v49  }
0x12d: {  	v50 =	vld [tilespmem:s14+$0x0];
	[tilespmem:s0+$0xFFFFFFF0] =	vst v7  }
0x12e: {  	v51 =	vld [tilespmem:s13+$0x0];
	[tilespmem:s14+$0xFFFFFFF0] =	vst v6  }
0x12f: {  	v6 =	vld [tilespmem:s15+$0x0];
	_ =	sdelay $0x3  }
0x130: {  	v4 =	vadd.f32 v51, v4  }
0x131: {  	v52 =	vld [tilespmem:s0+$0x10];
	v6 =	vadd.f32 v6, v50  }
0x132: {  	v53 =	vld [tilespmem:s14+$0x10];
	[tilespmem:s0+$0x0] =	vst v4  }
0x133: {  	v54 =	vld [tilespmem:s13+$0x10];
	[tilespmem:s14+$0x0] =	vst v6  }
0x134: {  	v6 =	vld [tilespmem:s15+$0x10];
	_ =	sdelay $0x2  }
0x135: {  	v2 =	vadd.f32 v5, v2  }
0x136: {  	v56 =	vld [tilespmem:s0+$0x20];
	v55 =	vadd.f32 v54, v52  }
0x137: {  	v57 =	vld [tilespmem:s14+$0x20];
	[tilespmem:s31+$0x10] =	vst v2;
	v4 =	vadd.f32 v6, v53  }
0x138: {  	v2 =	vld [tilespmem:s1+$0x20];
	[tilespmem:s0+$0x10] =	vst v55  }
0x139: {  	v58 =	vld [tilespmem:s13+$0x20];
	[tilespmem:s14+$0x10] =	vst v4  }
0x13a: {  	v4 =	vld [tilespmem:s15+$0x20];
	_ =	sdelay $0x2  }
0x13b: {  	v59 =	vld [tilespmem:s31+$0x30];
	v1 =	vadd.f32 v2, v1  }
0x13c: {  	v60 =	vld [tilespmem:s0+$0x30];
	v6 =	vadd.f32 v58, v56  }
0x13d: {  	v61 =	vld [tilespmem:s14+$0x30];
	[tilespmem:s31+$0x20] =	vst v1;
	v4 =	vadd.f32 v4, v57  }
0x13e: {  	v1 =	vld [tilespmem:s1+$0x30];
	[tilespmem:s0+$0x20] =	vst v6  }
0x13f: {  	v6 =	vld [tilespmem:s13+$0x30];
	[tilespmem:s14+$0x20] =	vst v4  }
0x140: {  	v4 =	vld [tilespmem:s15+$0x30]  }
0x141: {  	s28 =	sadd.s32 $0x1, s28  }
0x142: {  	v0 =	vadd.f32 v3, v0;
	p0 =	sne.s32 s28, $0x8  }
.Ltmp5:
0x143: {  	v1 =	vadd.f32 v1, v59;
	(pc) =	sbr.rel @p0 .LBB2_10-.Ltmp5, $4  }
0x144: {  	[tilespmem:s3+$0x30] =	vst v0;
	v62 =	vadd.f32 v6, v60  }
0x145: {  	[tilespmem:s31+$0x30] =	vst v1;
	v63 =	vadd.f32 v4, v61  }
0x146: {  	[tilespmem:s0+$0x30] =	vst v62  }
0x147: {  	s29 =	sadd.s32 $0x80, s29;
	s30 =	sadd.s32 $0x80, s30;
	[tilespmem:s14+$0x30] =	vst v63  }
0x148: {  	s28 =	simm.s32 $0x0;
	s0 =	simm.s32 $0x8000  }
0x149: {  	[hbm4b:s10+s28] =	stream.linear.scatter [tilespmem:s0], [sflag:$0x7], $0x4000, $0x38;
	[tilespmem:$0x14000] =	vst v63  }
0x14a: {  	_ =	swait.ge [sflag:s21], $0x4000  }
0x14b: {  	[sflag:s21] =	ssyncset.done $0x0  }
0x14c: {  	s29 =	simm.s32 $0x10040;
	s30 =	simm.s32 $0xC040;
	[sflag:s21] =	ssyncadd.s32 $0xFFFFC000  }
.LBB2_14:
0x14d: {  	v0 =	vld [tilespmem:s30+$0xFFFFFFC0]  }
0x14e: {  	v1 =	vld [tilespmem:s29+$0xFFFFFFC0];
	_ =	sdelay $0x4  }
0x14f: {  	v0 =	vadd.f32 v1, v0;
	_ =	sdelay $0x1  }
0x150: {  	[tilespmem:s30+$0xFFFFFFC0] =	vst v0;
	v0 =	vld [tilespmem:s30+$0xFFFFFFD0]  }
0x151: {  	v1 =	vld [tilespmem:s29+$0xFFFFFFD0];
	_ =	sdelay $0x3  }
0x152: {  	s1 =	sadd.s32 $0x400, s29  }
0x153: {  	s31 =	sadd.s32 $0x400, s30;
	v3 =	vld [tilespmem:s1+$0xFFFFFFC0];
	v0 =	vadd.f32 v1, v0  }
0x154: {  	v1 =	vld [tilespmem:s31+$0xFFFFFFC0]  }
0x155: {  	v2 =	vld [tilespmem:s30+$0xFFFFFFE0];
	[tilespmem:s30+$0xFFFFFFD0] =	vst v0  }
0x156: {  	v0 =	vld [tilespmem:s29+$0xFFFFFFE0];
	_ =	sdelay $0x2  }
0x157: {  	v1 =	vadd.f32 v3, v1;
	_ =	sdelay $0x1  }
0x158: {  	[tilespmem:s31+$0xFFFFFFC0] =	vst v1;
	v1 =	vld [tilespmem:s31+$0xFFFFFFD0];
	v0 =	vadd.f32 v0, v2  }
0x159: {  	v2 =	vld [tilespmem:s30+$0xFFFFFFF0]  }
0x15a: {  	v3 =	vld [tilespmem:s1+$0xFFFFFFD0];
	[tilespmem:s30+$0xFFFFFFE0] =	vst v0  }
0x15b: {  	v0 =	vld [tilespmem:s29+$0xFFFFFFF0];
	_ =	sdelay $0x2  }
0x15c: {  	v5 =	vld [tilespmem:s30+$0x0]  }
0x15d: {  	v4 =	vld [tilespmem:s31+$0xFFFFFFE0];
	s0 =	sadd.s32 $0x400, s31;
	v1 =	vadd.f32 v3, v1  }
0x15e: {  	s13 =	sadd.s32 $0x400, s1;
	v3 =	vld [tilespmem:s0+$0xFFFFFFC0];
	v0 =	vadd.f32 v0, v2  }
0x15f: {  	[tilespmem:s31+$0xFFFFFFD0] =	vst v1;
	v2 =	vld [tilespmem:s13+$0xFFFFFFC0]  }
0x160: {  	[tilespmem:s30+$0xFFFFFFF0] =	vst v0;
	v0 =	vld [tilespmem:s1+$0xFFFFFFE0]  }
0x161: {  	v1 =	vld [tilespmem:s29+$0x0];
	_ =	sdelay $0x2  }
0x162: {  	v2 =	vadd.f32 v2, v3;
	v3 =	vld [tilespmem:s30+$0x10]  }
0x163: {  	v0 =	vadd.f32 v0, v4;
	v4 =	vld [tilespmem:s31+$0xFFFFFFF0]  }
0x164: {  	[tilespmem:s0+$0xFFFFFFC0] =	vst v2;
	v2 =	vld [tilespmem:s0+$0xFFFFFFD0];
	v1 =	vadd.f32 v1, v5  }
0x165: {  	v5 =	vld [tilespmem:s13+$0xFFFFFFD0];
	[tilespmem:s31+$0xFFFFFFE0] =	vst v0  }
0x166: {  	v0 =	vld [tilespmem:s1+$0xFFFFFFF0];
	[tilespmem:s30+$0x0] =	vst v1  }
0x167: {  	v1 =	vld [tilespmem:s29+$0x10]  }
0x168: {  	v6 =	vld [tilespmem:s30+$0x20]  }
0x169: {  	v8 =	vld [tilespmem:s31+$0x0]  }
0x16a: {  	v7 =	vld [tilespmem:s0+$0xFFFFFFE0];
	s14 =	sadd.s32 $0x400, s0;
	v2 =	vadd.f32 v5, v2  }
0x16b: {  	s4 =	sadd.s32 $0x400, s13;
	v5 =	vld [tilespmem:s14+$0xFFFFFFC0];
	v0 =	vadd.f32 v0, v4  }
0x16c: {  	v4 =	vld [tilespmem:s4+$0xFFFFFFC0];
	[tilespmem:s0+$0xFFFFFFD0] =	vst v2;
	v1 =	vadd.f32 v1, v3  }
0x16d: {  	v3 =	vld [tilespmem:s13+$0xFFFFFFE0];
	[tilespmem:s31+$0xFFFFFFF0] =	vst v0  }
0x16e: {  	[tilespmem:s30+$0x10] =	vst v1;
	v1 =	vld [tilespmem:s1+$0x0]  }
0x16f: {  	v9 =	vld [tilespmem:s29+$0x20]  }
0x170: {  	v10 =	vld [tilespmem:s14+$0xFFFFFFD0]  }
0x171: {  	v2 =	vld [tilespmem:s31+$0x10];
	v4 =	vadd.f32 v4, v5  }
0x172: {  	v0 =	vld [tilespmem:s30+$0x30];
	v3 =	vadd.f32 v3, v7  }
0x173: {  	v7 =	vld [tilespmem:s0+$0xFFFFFFF0];
	[tilespmem:s14+$0xFFFFFFC0] =	vst v4;
	v1 =	vadd.f32 v1, v8  }
0x174: {  	v8 =	vld [tilespmem:s4+$0xFFFFFFD0];
	[tilespmem:s0+$0xFFFFFFE0] =	vst v3;
	v3 =	vadd.f32 v9, v6  }
0x175: {  	v9 =	vld [tilespmem:s13+$0xFFFFFFF0];
	[tilespmem:s31+$0x0] =	vst v1  }
0x176: {  	v5 =	vld [tilespmem:s1+$0x10];
	[tilespmem:s30+$0x20] =	vst v3  }
0x177: {  	v3 =	vld [tilespmem:s29+$0x30]  }
0x178: {  	v4 =	vld [tilespmem:s0+$0x0]  }
0x179: {  	s16 =	simm.s32 $0x180;
	v6 =	vld [tilespmem:s14+$0xFFFFFFE0];
	v8 =	vadd.f32 v8, v10  }
0x17a: {  	s3 =	smov.u32 s30;
	s5 =	sadd.s32 $0x400, s14;
	s15 =	smov.u32 s4;
	v1 =	vld [tilespmem:s31+$0x20];
	v7 =	vadd.f32 v9, v7  }
.LBB2_15:
0x17b: {  	v9 =	vld [tilespmem:s5+$0xFFFFFFC0];
	[tilespmem:s14+$0xFFFFFFD0] =	vst v8;
	s4 =	sadd.s32 $0x400, s4;
	v2 =	vadd.f32 v5, v2  }
0x17c: {  	v5 =	vld [tilespmem:s4+$0xFFFFFFC0];
	[tilespmem:s0+$0xFFFFFFF0] =	vst v7;
	v0 =	vadd.f32 v3, v0  }
0x17d: {  	v3 =	vld [tilespmem:s15+$0xFFFFFFE0];
	[tilespmem:s31+$0x10] =	vst v2  }
0x17e: {  	v7 =	vld [tilespmem:s13+$0x0];
	[tilespmem:s3+$0x30] =	vst v0;
	s3 =	smov.u32 s31;
	s31 =	smov.u32 s0;
	s0 =	smov.u32 s14  }
0x17f: {  	s16 =	sadd.s32 $0x80, s16;
	s14 =	smov.u32 s5;
	v8 =	vld [tilespmem:s1+$0x20]  }
0x180: {  	p0 =	slt.u32 s16, $0x780;
	v0 =	vld [tilespmem:s3+$0x30]  }
0x181: {  	v5 =	vadd.f32 v5, v9;
	v2 =	vld [tilespmem:s31+$0x10]  }
0x182: {  	v3 =	vadd.f32 v3, v6;
	v9 =	vld [tilespmem:s0+$0xFFFFFFF0]  }
0x183: {  	[tilespmem:s5+$0xFFFFFFC0] =	vst v5;
	v6 =	vld [tilespmem:s5+$0xFFFFFFD0];
	v4 =	vadd.f32 v7, v4  }
0x184: {  	v7 =	vld [tilespmem:s4+$0xFFFFFFD0];
	[tilespmem:s0+$0xFFFFFFE0] =	vst v3;
	v1 =	vadd.f32 v8, v1  }
0x185: {  	v10 =	vld [tilespmem:s15+$0xFFFFFFF0];
	[tilespmem:s31+$0x0] =	vst v4  }
.Ltmp6:
0x186: {  	v5 =	vld [tilespmem:s13+$0x10];
	[tilespmem:s3+$0x20] =	vst v1;
	(pc) =	sbr.rel @p0 .LBB2_15-.Ltmp6, $4  }
0x187: {  	v3 =	vld [tilespmem:s1+$0x30];
	s1 =	smov.u32 s13;
	s13 =	smov.u32 s15;
	s15 =	smov.u32 s4  }
0x188: {  	v1 =	vld [tilespmem:s31+$0x20]  }
0x189: {  	v8 =	vadd.f32 v7, v6;
	v4 =	vld [tilespmem:s0+$0x0]  }
0x18a: {  	s5 =	sadd.s32 $0x400, s5;
	v6 =	vld [tilespmem:s14+$0xFFFFFFE0];
	v7 =	vadd.f32 v10, v9  }
0x18b: {  	[tilespmem:s14+$0xFFFFFFD0] =	vst v8  }
0x18c: {  	v8 =	vld [tilespmem:s15+$0xFFFFFFE0];
	_ =	sdelay $0x4  }
0x18d: {  	v6 =	vadd.f32 v8, v6;
	_ =	sdelay $0x1  }
0x18e: {  	v49 =	vld [tilespmem:s14+$0xFFFFFFF0];
	[tilespmem:s14+$0xFFFFFFE0] =	vst v6  }
0x18f: {  	v6 =	vld [tilespmem:s15+$0xFFFFFFF0];
	_ =	sdelay $0x4  }
0x190: {  	v6 =	vadd.f32 v6, v49  }
0x191: {  	v50 =	vld [tilespmem:s14+$0x0];
	[tilespmem:s0+$0xFFFFFFF0] =	vst v7  }
0x192: {  	v51 =	vld [tilespmem:s13+$0x0];
	[tilespmem:s14+$0xFFFFFFF0] =	vst v6  }
0x193: {  	v6 =	vld [tilespmem:s15+$0x0];
	_ =	sdelay $0x3  }
0x194: {  	v4 =	vadd.f32 v51, v4  }
0x195: {  	v52 =	vld [tilespmem:s0+$0x10];
	v6 =	vadd.f32 v6, v50  }
0x196: {  	v53 =	vld [tilespmem:s14+$0x10];
	[tilespmem:s0+$0x0] =	vst v4  }
0x197: {  	v54 =	vld [tilespmem:s13+$0x10];
	[tilespmem:s14+$0x0] =	vst v6  }
0x198: {  	v6 =	vld [tilespmem:s15+$0x10];
	_ =	sdelay $0x2  }
0x199: {  	v2 =	vadd.f32 v5, v2  }
0x19a: {  	v56 =	vld [tilespmem:s0+$0x20];
	v55 =	vadd.f32 v54, v52  }
0x19b: {  	v57 =	vld [tilespmem:s14+$0x20];
	[tilespmem:s31+$0x10] =	vst v2;
	v4 =	vadd.f32 v6, v53  }
0x19c: {  	v2 =	vld [tilespmem:s1+$0x20];
	[tilespmem:s0+$0x10] =	vst v55  }
0x19d: {  	v58 =	vld [tilespmem:s13+$0x20];
	[tilespmem:s14+$0x10] =	vst v4  }
0x19e: {  	v4 =	vld [tilespmem:s15+$0x20];
	_ =	sdelay $0x2  }
0x19f: {  	v59 =	vld [tilespmem:s31+$0x30];
	v1 =	vadd.f32 v2, v1  }
0x1a0: {  	v60 =	vld [tilespmem:s0+$0x30];
	v6 =	vadd.f32 v58, v56  }
0x1a1: {  	v61 =	vld [tilespmem:s14+$0x30];
	[tilespmem:s31+$0x20] =	vst v1;
	v4 =	vadd.f32 v4, v57  }
0x1a2: {  	v1 =	vld [tilespmem:s1+$0x30];
	[tilespmem:s0+$0x20] =	vst v6  }
0x1a3: {  	v6 =	vld [tilespmem:s13+$0x30];
	[tilespmem:s14+$0x20] =	vst v4  }
0x1a4: {  	v4 =	vld [tilespmem:s15+$0x30]  }
0x1a5: {  	s28 =	sadd.s32 $0x1, s28  }
0x1a6: {  	v0 =	vadd.f32 v3, v0;
	p0 =	sne.s32 s28, $0x8  }
.Ltmp7:
0x1a7: {  	v1 =	vadd.f32 v1, v59;
	(pc) =	sbr.rel @p0 .LBB2_14-.Ltmp7, $4  }
0x1a8: {  	[tilespmem:s3+$0x30] =	vst v0;
	v62 =	vadd.f32 v6, v60  }
0x1a9: {  	[tilespmem:s31+$0x30] =	vst v1;
	v63 =	vadd.f32 v4, v61  }
0x1aa: {  	[tilespmem:s0+$0x30] =	vst v62  }
0x1ab: {  	s29 =	sadd.s32 $0x80, s29;
	s30 =	sadd.s32 $0x80, s30;
	[tilespmem:s14+$0x30] =	vst v63  }
0x1ac: {  	s3 =	simm.s32 $0xC000  }
0x1ad: {  	[hbm4b:s11+s2] =	stream.linear.scatter [tilespmem:s3], [sflag:$0x8], $0x4000, $0x38;
	[tilespmem:$0x14000] =	vst v63  }
0x1ae: {  	_ =	swait.ge [sflag:s22], $0x4000  }
0x1af: {  	[sflag:s22] =	ssyncset.done $0x0  }
0x1b0: {  	[sflag:s22] =	ssyncadd.s32 $0xFFFFC000  }
0x1b1: {  	_ =	swait.ge [sflag:s23], $0x4000  }
0x1b2: {  	[sflag:s23] =	ssyncset.done $0x0  }
0x1b3: {  	s26 =	sadd.s32 $0x1, s26;
	[sflag:s23] =	ssyncadd.s32 $0xFFFFC000  }
0x1b4: {  	p0 =	sne.s32 s26, s12;
	_ =	swait.ge [sflag:s24], $0x4000  }
.Ltmp8:
0x1b5: {  	[sflag:s24] =	ssyncset.done $0x0;
	(pc) =	sbr.rel @p0 .LBB2_1-.Ltmp8, $4  }
0x1b6: {  	[sflag:s24] =	ssyncadd.s32 $0xFFFFC000  }
0x1b7: {  	_ =	swait.ge [sflag:s25], $0x4000  }
0x1b8: {  	[sflag:s25] =	ssyncset.done $0x0  }
0x1b9: {  	[sflag:s25] =	ssyncadd.s32 $0xFFFFC000  }
0x1ba: {  	_ =	sfence.sel $0x180000  }
0x1bb: {  	[bflag:$0x0] =	sbarrier.arrive $0xFFFF  }
0x1bc: {  	_ =	strace $0x90000047  }
0x1bd: {  	s0 =	stileid.u32;
	[bflag:$0x2] =	sbarrier.arrive $0xFFFF  }
0x1be: {  	p0 =	sne.s32 s0, $0x0;
	s0 =	rddreg [dreg:$0x3]  }
0x1bf: {  	s0 =	sadd.s32 @!p0 $0x100000, s0  }
0x1c0: {  	[sflag:s0] =	ssyncadd.tile.s32 @!p0 $0x1;
	_ =	shalt  }
.Lfunc_end2:
_tile_overlayer_lowered:
.L_overlay_start_2:
0x1c1: {  	(tag) =	ssettag $0x2  }
0x1c2: {  	s0 =	rddreg [dreg:$0x0];
	s2 =	stileid.u32  }
0x1c3: {  	s1 =	rddreg [dreg:$0x1];
	p0 =	sne.s32 s2, $0x0  }
0x1c4: {  	s3 =	rddreg [dreg:$0x2];
	[bflag:$0x3] =	sbarrier.arrive $0xFFFF;
	s2 =	simm.s32 @!p0 $0x1C0A  }
0x1c5: {  	[timem:s3], [sflag:s2] =	dma.local @!p0 [hbm:s0], s1  }
0x1c6: {  	s0 =	simm.s32 @!p0 $0xA  }
0x1c7: {  	_ =	swait.ge @!p0 [sflag:s0], s1  }
0x1c8: {  	s1 =	ssub.s32 @!p0 $0x0, s1;
	[sflag:s0] =	ssyncset.done @!p0 $0x0  }
0x1c9: {  	[sflag:s0] =	ssyncadd.s32 @!p0 s1  }
0x1ca: {  	[bflag:$0x3] =	sbarrier.arrive $0xFFFF  }
0x1cb: {  	_ =	shalt  }

</sc_bundles>
